<compile_context>
chip_gen: v7x
topology: tpu7x:2x2x1
jax: 0.10.2.dev20260603
libtpu: 0.0.44.dev20260713+nightly
codegen_flags: <defaults>
</compile_context>

<pallas_src>
import dataclasses
import functools

import jax
import jax.numpy as jnp
from jax import lax
from jax.experimental import pallas as pl
from jax.experimental.pallas import tpu as pltpu
from jax.experimental.pallas import tpu_sc as plsc

N = 10000
E = 320000
H = 128
EP = 323584
NCHUNK = EP // 128
NW = 32
CPW = NCHUNK // NW
DUMMY = N
NACC = 10112
NB = 1000



def _k1_body(img_ref, tw_ref, nu_ref, ca_ref, wi_ref, bi_ref, wt_ref, bt_ref,
             wn_ref, bn_ref, wc_ref, bc_ref, wf_ref, bf_ref, nf_ref):
    f_im = jnp.maximum(jnp.dot(img_ref[...], wi_ref[...]) + bi_ref[...], 0.0)
    f_tw = jnp.maximum(jnp.dot(tw_ref[...], wt_ref[...]) + bt_ref[...], 0.0)
    f_nu = jnp.maximum(jnp.dot(nu_ref[...], wn_ref[...]) + bn_ref[...], 0.0)
    f_ca = jnp.maximum(jnp.dot(ca_ref[...], wc_ref[...]) + bc_ref[...], 0.0)
    comb = jnp.concatenate([f_im, f_tw, f_nu, f_ca], axis=1)
    nf_ref[...] = jnp.maximum(jnp.dot(comb, wf_ref[...]) + bf_ref[...], 0.0)


def _k1(image, tweets, nu, ca, W_image, b_image, W_tweet, b_tweet,
        W_num, b_num, W_cat, b_cat, W_fusion, b_fusion):
    grid = (N // NB,)
    full = lambda i: (0, 0)
    return pl.pallas_call(
        _k1_body,
        grid=grid,
        compiler_params=pltpu.CompilerParams(dimension_semantics=("parallel",)),
        in_specs=[
            pl.BlockSpec((NB, 128), lambda i: (i, 0)),
            pl.BlockSpec((NB, 768), lambda i: (i, 0)),
            pl.BlockSpec((NB, 5), lambda i: (i, 0)),
            pl.BlockSpec((NB, 3), lambda i: (i, 0)),
            pl.BlockSpec((128, 128), full),
            pl.BlockSpec((1, 128), full),
            pl.BlockSpec((768, 128), full),
            pl.BlockSpec((1, 128), full),
            pl.BlockSpec((5, 128), full),
            pl.BlockSpec((1, 128), full),
            pl.BlockSpec((3, 128), full),
            pl.BlockSpec((1, 128), full),
            pl.BlockSpec((512, 128), full),
            pl.BlockSpec((1, 128), full),
        ],
        out_specs=pl.BlockSpec((NB, 128), lambda i: (i, 0)),
        out_shape=jax.ShapeDtypeStruct((N, 128), jnp.float32),
    )(image, tweets, nu, ca, W_image, b_image, W_tweet, b_tweet,
      W_num, b_num, W_cat, b_cat, W_fusion, b_fusion)



def _k2(nf, ia, ib):
    mesh = plsc.VectorSubcoreMesh(core_axis_name="c", subcore_axis_name="s")

    @functools.partial(
        pl.kernel,
        out_type=[jax.ShapeDtypeStruct((EP, 128), jnp.float32),
                  jax.ShapeDtypeStruct((EP, 128), jnp.float32)],
        mesh=mesh,
        scratch_types=[
            pltpu.VMEM((2, 128), jnp.int32),
            pltpu.VMEM((2, 128), jnp.int32),
            pltpu.VMEM((2, 128, 128), jnp.float32),
            pltpu.VMEM((2, 128, 128), jnp.float32),
            pltpu.SemaphoreType.DMA,
            pltpu.SemaphoreType.DMA,
            pltpu.SemaphoreType.DMA,
            pltpu.SemaphoreType.DMA,
            pltpu.SemaphoreType.DMA,
            pltpu.SemaphoreType.DMA,
        ])
    def k2(nf_hbm, ia_hbm, ib_hbm, oa_hbm, ob_hbm,
           iav, ibv, rav, rbv, si0, si1, sg0, sg1, sw0, sw1):
        wid = lax.axis_index("s") * 2 + lax.axis_index("c")
        base = wid * CPW
        si = (si0, si1)
        sg = (sg0, sg1)
        sw = (sw0, sw1)

        def idx_issue(c, buf):
            pltpu.async_copy(ia_hbm.at[pl.ds(c * 128, 128)], iav.at[buf], si[buf])
            pltpu.async_copy(ib_hbm.at[pl.ds(c * 128, 128)], ibv.at[buf], si[buf])

        def idx_wait(c, buf):
            pltpu.make_async_copy(ia_hbm.at[pl.ds(c * 128, 128)], iav.at[buf], si[buf]).wait()
            pltpu.make_async_copy(ib_hbm.at[pl.ds(c * 128, 128)], ibv.at[buf], si[buf]).wait()

        def g_issue(buf):
            pltpu.async_copy(nf_hbm.at[iav.at[buf]], rav.at[buf], sg[buf])
            pltpu.async_copy(nf_hbm.at[ibv.at[buf]], rbv.at[buf], sg[buf])

        def g_wait(buf):
            pltpu.make_async_copy(nf_hbm.at[iav.at[buf]], rav.at[buf], sg[buf]).wait()
            pltpu.make_async_copy(nf_hbm.at[ibv.at[buf]], rbv.at[buf], sg[buf]).wait()

        def w_issue(c, buf):
            pltpu.async_copy(rav.at[buf], oa_hbm.at[pl.ds(c * 128, 128)], sw[buf])
            pltpu.async_copy(rbv.at[buf], ob_hbm.at[pl.ds(c * 128, 128)], sw[buf])

        def w_wait(c, buf):
            pltpu.make_async_copy(rav.at[buf], oa_hbm.at[pl.ds(c * 128, 128)], sw[buf]).wait()
            pltpu.make_async_copy(rbv.at[buf], ob_hbm.at[pl.ds(c * 128, 128)], sw[buf]).wait()

        idx_issue(base, 0)

        @pl.loop(0, CPW)
        def _(j):
            c = base + j
            for buf in (0, 1):
                obuf = 1 - buf

                @pl.when(lax.rem(j, 2) == buf)
                def _():
                    @pl.when(j >= 2)
                    def _():
                        w_wait(c - 2, buf)

                    idx_wait(c, buf)
                    g_issue(buf)

                    @pl.when(j >= 1)
                    def _():
                        g_wait(obuf)
                        w_issue(c - 1, obuf)

                    @pl.when(j + 1 < CPW)
                    def _():
                        idx_issue(c + 1, obuf)

        lastbuf = (CPW - 1) % 2
        g_wait(lastbuf)
        w_issue(base + CPW - 1, lastbuf)
        w_wait(base + CPW - 1, lastbuf)
        w_wait(base + CPW - 2, 1 - lastbuf)

    return k2(nf, ia, ib)



EB = 4096


def _k3_body(g1_ref, g2_ref, et_ref, emb_ref, w1_ref, b1_ref, w2_ref, b2_ref, conf_ref):
    cat = jnp.concatenate([g1_ref[...], g2_ref[...]], axis=1)
    et = et_ref[...]
    emb = jnp.where(et == 0, emb_ref[0, :][None, :],
                    jnp.where(et == 1, emb_ref[1, :][None, :], emb_ref[2, :][None, :]))
    edge_emb = jnp.maximum(cat + emb, 0.0)
    h = jnp.maximum(jnp.dot(edge_emb, w1_ref[...]) + b1_ref[...], 0.0)
    conf_ref[...] = jnp.dot(h, w2_ref[...]) + b2_ref[0, 0]


def _k3(g1, g2, et, et_embed, W_ec1, b_ec1, W_ec2, b_ec2):
    grid = (EP // EB,)
    return pl.pallas_call(
        _k3_body,
        grid=grid,
        compiler_params=pltpu.CompilerParams(dimension_semantics=("parallel",)),
        in_specs=[
            pl.BlockSpec((EB, 128), lambda i: (i, 0)),
            pl.BlockSpec((EB, 128), lambda i: (i, 0)),
            pl.BlockSpec((EB, 1), lambda i: (i, 0)),
            pl.BlockSpec((3, 256), lambda i: (0, 0)),
            pl.BlockSpec((256, 64), lambda i: (0, 0)),
            pl.BlockSpec((1, 64), lambda i: (0, 0)),
            pl.BlockSpec((64, 1), lambda i: (0, 0)),
            pl.BlockSpec((1, 1), lambda i: (0, 0)),
        ],
        out_specs=pl.BlockSpec((EB, 1), lambda i: (i, 0)),
        out_shape=jax.ShapeDtypeStruct((EP, 1), jnp.float32),
    )(g1, g2, et, et_embed, W_ec1, b_ec1.reshape(1, 64), W_ec2, b_ec2.reshape(1, 1))



def _k4(uj, mi):
    mesh = plsc.VectorSubcoreMesh(core_axis_name="c", subcore_axis_name="s")
    cp = pltpu.CompilerParams()
    if "needs_layout_passes" in pltpu.CompilerParams.__dataclass_fields__:
        cp = dataclasses.replace(cp, needs_layout_passes=False)

    @functools.partial(
        pl.kernel,
        out_type=[jax.ShapeDtypeStruct((2, NACC, 128), jnp.float32),
                  jax.ShapeDtypeStruct((NW, 80, 128), jnp.float32)],
        mesh=mesh,
        compiler_params=cp,
        scratch_types=[
            pltpu.VMEM((2, 128, 128), jnp.float32),
            pltpu.VMEM((2, 128), jnp.int32),
            pltpu.VMEM((80, 128), jnp.float32),
            pltpu.VMEM_SHARED((NACC, 128), jnp.float32),
            pltpu.SemaphoreType.DMA,
            pltpu.SemaphoreType.DMA,
        ])
    def k4(uj_hbm, mi_hbm, outf_hbm, outc_hbm, rows_v, mi_v, cnt_v, acc,
           sin0, sin1):
        cid = lax.axis_index("c")
        sid = lax.axis_index("s")
        wid = sid * 2 + cid
        base = wid * CPW
        sin = (sin0, sin1)

        def fill0(val):
            @pl.loop(0, 128)
            def _(r):
                @pl.loop(0, 128, step=16)
                def _(c0):
                    rows_v[0, r, pl.ds(c0, 16)] = jnp.full((16,), val, jnp.float32)

        @pl.loop(0, 80)
        def _(r):
            @pl.loop(0, 128, step=16)
            def _(c0):
                cnt_v[r, pl.ds(c0, 16)] = jnp.zeros((16,), jnp.float32)

        def zero_acc():
            @pl.loop(0, 5)
            def _(j):
                k = sid + j * 16

                @pl.when(k < CPW)
                def _():
                    pltpu.sync_copy(rows_v.at[0], acc.at[pl.ds(k * 128, 128)])

        def writeback(out_hbm):
            @pl.loop(0, 5)
            def _(j):
                k = sid + j * 16

                @pl.when(k < CPW)
                def _():
                    pltpu.sync_copy(acc.at[pl.ds(k * 128, 128)],
                                    out_hbm.at[cid].at[pl.ds(k * 128, 128)])

        def a_issue(c, buf):
            pltpu.async_copy(mi_hbm.at[pl.ds(c * 128, 128)], mi_v.at[buf], sin[buf])
            pltpu.async_copy(uj_hbm.at[pl.ds(c * 128, 128)], rows_v.at[buf], sin[buf])

        def a_wait(c, buf):
            pltpu.make_async_copy(mi_hbm.at[pl.ds(c * 128, 128)], mi_v.at[buf], sin[buf]).wait()
            pltpu.make_async_copy(uj_hbm.at[pl.ds(c * 128, 128)], rows_v.at[buf], sin[buf]).wait()

        fill0(0.0)
        zero_acc()
        plsc.subcore_barrier()
        a_issue(base, 0)

        @pl.loop(0, CPW)
        def _(j):
            c = base + j
            for buf in (0, 1):
                obuf = 1 - buf

                @pl.when(lax.rem(j, 2) == buf)
                def _():
                    a_wait(c, buf)

                    @pl.when(j + 1 < CPW)
                    def _():
                        a_issue(c + 1, obuf)

                    pltpu.sync_copy(rows_v.at[buf], acc.at[mi_v.at[buf]], add=True)

                    for o in range(8):
                        idx = mi_v[buf, pl.ds(o * 16, 16)]
                        ridx = lax.shift_right_logical(idx, 7)
                        lidx = lax.bitwise_and(idx, 127)
                        plsc.addupdate_scatter(cnt_v, [ridx, lidx],
                                               jnp.ones((16,), jnp.float32))

        pltpu.sync_copy(cnt_v, outc_hbm.at[wid])
        plsc.subcore_barrier()
        writeback(outf_hbm)

    return k4(uj, mi)



def _k5_body(pf0_ref, pf1_ref, cnt_ref, nf_ref, wcls_ref, bcls_ref, out_ref):
    sf = pf0_ref[...] + pf1_ref[...]
    cnt = cnt_ref[...]
    mean = sf / jnp.maximum(cnt, 1.0)
    agg = jnp.where(cnt > 0, mean, nf_ref[...])
    out_ref[...] = jnp.dot(agg, wcls_ref[...]) + bcls_ref[...]


def _k5(pf0, pf1, cnt, nf, W_cls, b_cls):
    grid = (N // NB,)
    return pl.pallas_call(
        _k5_body,
        grid=grid,
        compiler_params=pltpu.CompilerParams(dimension_semantics=("parallel",)),
        in_specs=[
            pl.BlockSpec((NB, 128), lambda i: (i, 0)),
            pl.BlockSpec((NB, 128), lambda i: (i, 0)),
            pl.BlockSpec((NB, 1), lambda i: (i, 0)),
            pl.BlockSpec((NB, 128), lambda i: (i, 0)),
            pl.BlockSpec((128, 2), lambda i: (0, 0)),
            pl.BlockSpec((1, 2), lambda i: (0, 0)),
        ],
        out_specs=pl.BlockSpec((NB, 2), lambda i: (i, 0)),
        out_shape=jax.ShapeDtypeStruct((N, 2), jnp.float32),
    )(pf0, pf1, cnt, nf, W_cls, b_cls.reshape(1, 2))



def kernel(image_tensor, tweets_tensor, num_prop, category_prop, edge_index, edge_type,
           W_image, b_image, W_tweet, b_tweet, W_num, b_num, W_cat, b_cat,
           W_fusion, b_fusion, edge_type_embed, W_mu, b_mu, W_logvar, b_logvar,
           W_ec1, b_ec1, W_ec2, b_ec2, W_cls, b_cls):
    nf = _k1(image_tensor, tweets_tensor, num_prop, category_prop,
             W_image, b_image.reshape(1, H), W_tweet, b_tweet.reshape(1, H),
             W_num, b_num.reshape(1, H), W_cat, b_cat.reshape(1, H),
             W_fusion, b_fusion.reshape(1, H))

    src = edge_index[0]
    dst = edge_index[1]
    pad = EP - E
    src_p = jnp.pad(src, (0, pad))
    dst_p = jnp.pad(dst, (0, pad))
    et_p = jnp.pad(edge_type, (0, pad))

    g1, g2 = _k2(nf, src_p, dst_p)

    conf = _k3(g1, g2, et_p.reshape(EP, 1), edge_type_embed, W_ec1, b_ec1, W_ec2, b_ec2)

    _, k_bern = jax.random.split(jax.random.key(42))
    u = jax.random.uniform(k_bern, (E,), dtype=jnp.float32)
    u_p = jnp.pad(u, (0, pad), constant_values=2.0)
    p_ij = jax.nn.sigmoid(conf[:, 0])
    s = u_p < p_ij
    mi = jnp.where(s, src_p, DUMMY).astype(jnp.int32)

    pf, pc = _k4(g2, mi)

    cnt = jnp.sum(pc, axis=0).reshape(80 * 128)[:N].reshape(N, 1)

    return _k5(pf[0], pf[1], cnt, nf, W_cls, b_cls)

# --- scband reference (transcript-rebuilt; emitter-appended) ---
"""Pipeline reference for scband-becemodel-38912403702282 (READ-ONLY COPY).

The authoritative reference and input builder live on the scoring server;
editing this copy changes nothing except your own understanding.
"""

import jax, jax.numpy as jnp
import numpy as np
from jax import ops as jops

N = 10000
E = 320000
H = 128
IMAGE_DIM = 128
TWEET_DIM = 768
NUM_PROP_DIM = 5
CATEGORY_DIM = 3
NUM_CLASSES = 2
NUM_EDGE_TYPES = 3

def _lin(key, fan_in, fan_out):
    return jax.random.normal(key, (fan_in, fan_out), dtype=jnp.float32) * (1.0 / np.sqrt(fan_in))

def setup_inputs(seed: int = 0) -> dict:
    key = jax.random.key(seed)
    ks = jax.random.split(key, 24)
    inp = {}
    inp["image_tensor"] = jax.random.normal(ks[0], (N, IMAGE_DIM), dtype=jnp.float32)
    inp["tweets_tensor"] = jax.random.normal(ks[1], (N, TWEET_DIM), dtype=jnp.float32)
    inp["num_prop"] = jax.random.normal(ks[2], (N, NUM_PROP_DIM), dtype=jnp.float32)
    inp["category_prop"] = jax.random.normal(ks[3], (N, CATEGORY_DIM), dtype=jnp.float32)
    inp["edge_index"] = jax.random.randint(ks[4], (2, E), 0, N, dtype=jnp.int32)
    inp["edge_type"] = jax.random.randint(ks[5], (E,), 0, NUM_EDGE_TYPES, dtype=jnp.int32)
    inp["W_image"] = _lin(ks[6], IMAGE_DIM, H); inp["b_image"] = jnp.zeros((H,), jnp.float32)
    inp["W_tweet"] = _lin(ks[7], TWEET_DIM, H); inp["b_tweet"] = jnp.zeros((H,), jnp.float32)
    inp["W_num"] = _lin(ks[8], NUM_PROP_DIM, H); inp["b_num"] = jnp.zeros((H,), jnp.float32)
    inp["W_cat"] = _lin(ks[9], CATEGORY_DIM, H); inp["b_cat"] = jnp.zeros((H,), jnp.float32)
    inp["W_fusion"] = _lin(ks[10], 4 * H, H); inp["b_fusion"] = jnp.zeros((H,), jnp.float32)
    inp["edge_type_embed"] = jax.random.normal(ks[11], (NUM_EDGE_TYPES, 2 * H), dtype=jnp.float32)
    inp["W_mu"] = _lin(ks[12], 2 * H, H); inp["b_mu"] = jnp.zeros((H,), jnp.float32)
    inp["W_logvar"] = _lin(ks[13], 2 * H, H); inp["b_logvar"] = jnp.zeros((H,), jnp.float32)
    inp["W_ec1"] = _lin(ks[14], 2 * H, 64); inp["b_ec1"] = jnp.zeros((64,), jnp.float32)
    inp["W_ec2"] = _lin(ks[15], 64, 1); inp["b_ec2"] = jnp.zeros((1,), jnp.float32)
    inp["W_cls"] = _lin(ks[16], H, NUM_CLASSES); inp["b_cls"] = jnp.zeros((NUM_CLASSES,), jnp.float32)
    return inp

def reference(image_tensor, tweets_tensor, num_prop, category_prop, edge_index, edge_type,
              W_image, b_image, W_tweet, b_tweet, W_num, b_num, W_cat, b_cat,
              W_fusion, b_fusion, edge_type_embed, W_mu, b_mu, W_logvar, b_logvar,
              W_ec1, b_ec1, W_ec2, b_ec2, W_cls, b_cls):
    # encode_user
    image_feat = jax.nn.relu(image_tensor @ W_image + b_image)
    tweet_feat = jax.nn.relu(tweets_tensor @ W_tweet + b_tweet)
    num_feat = jax.nn.relu(num_prop @ W_num + b_num)
    category_feat = jax.nn.relu(category_prop @ W_cat + b_cat)
    combined = jnp.concatenate([image_feat, tweet_feat, num_feat, category_feat], axis=-1)
    node_features = jax.nn.relu(combined @ W_fusion + b_fusion)
    src_idx = edge_index[0]
    dst_idx = edge_index[1]
    u_i = node_features[src_idx]
    u_j = node_features[dst_idx]
    # construct_edge
    edge_feat = jnp.concatenate([u_i, u_j], axis=-1) + edge_type_embed[edge_type]
    edge_emb = jax.nn.relu(edge_feat)
    # parameterized_gaussian (reparameterization; z/mu/log_var not used downstream, kept faithful)
    mu = edge_emb @ W_mu + b_mu
    log_var = edge_emb @ W_logvar + b_logvar
    std = jnp.exp(0.5 * log_var)
    rk = jax.random.key(42)
    k_eps, k_bern = jax.random.split(rk)
    eps = jax.random.normal(k_eps, std.shape, dtype=std.dtype)
    z = mu + eps * std
    # edge confidence + Bernoulli edge selection (sample is non-differentiable, like torch .sample())
    h = jax.nn.relu(edge_emb @ W_ec1 + b_ec1)
    conf_logits = (h @ W_ec2 + b_ec2)[:, 0]
    p_ij = jax.nn.sigmoid(conf_logits)
    u = jax.random.uniform(k_bern, p_ij.shape, dtype=p_ij.dtype)
    s_ij = (u < p_ij).astype(node_features.dtype)
    # mean aggregation of trusted dst features grouped by src (equivalent to the per-node loop)
    sum_feat = jops.segment_sum(u_j * s_ij[:, None], src_idx, num_segments=N)
    count = jops.segment_sum(s_ij, src_idx, num_segments=N)
    mean_feat = sum_feat / jnp.maximum(count, 1.0)[:, None]
    aggregated = jnp.where(count[:, None] > 0, mean_feat, node_features)
    logits = aggregated @ W_cls + b_cls
    return logits

if __name__ == "__main__":
    import jax
    _d = setup_inputs()
    print(jax.jit(kernel)(*tuple(_d.values())))

</pallas_src>

<mosaic_0001>
#map = affine_map<(d0, d1) -> (0, 0)>
#map1 = affine_map<(d0, d1) -> (0)>
#map2 = affine_map<(d0, d1) -> (0, 0, 0)>
module attributes {stable_mosaic.version = 14 : i64} {
  func.func @k4(%arg0: i32, %arg1: i32, %arg2: memref<323584x128xf32, #tpu.memory_space<hbm>>, %arg3: memref<323584xi32, #tpu.memory_space<hbm>>, %arg4: memref<2x10112x128xf32, #tpu.memory_space<hbm>>, %arg5: memref<32x80x128xf32, #tpu.memory_space<hbm>>, %arg6: memref<2x128x128xf32, #tpu.memory_space<vmem>>, %arg7: memref<2x128xi32, #tpu.memory_space<vmem>>, %arg8: memref<80x128xf32, #tpu.memory_space<vmem>>, %arg9: memref<10112x128xf32, #tpu.memory_space<vmem_shared>>, %arg10: memref<!tpu.dma_semaphore, #tpu.memory_space<semaphore_mem>>, %arg11: memref<!tpu.dma_semaphore, #tpu.memory_space<semaphore_mem>>) attributes {dimension_semantics = [#tpu.dimension_semantics<core_parallel>, #tpu.dimension_semantics<subcore_parallel>], iteration_bounds = array<i64: 2, 16>, scalar_prefetch = 0 : i64, scratch_operands = 6 : i64, tpu.core_type = #tpu.core_type<sc_vector_subcore>, window_params = [{transform_indices = #map}, {transform_indices = #map1}, {transform_indices = #map2}, {transform_indices = #map2}]} {
    %mul3A = arith.constant 2 : i32
    %mul3A_0 = arith.muli %arg1, %mul3A : i32
    %add3A = arith.addi %mul3A_0, %arg0 : i32
    %mul3A_1 = arith.constant 79 : i32
    %mul3A_2 = arith.muli %add3A, %mul3A_1 : i32
    %scan3A = arith.constant 0 : i32
    %scan3A_3 = arith.constant 80 : i32
    %scan3A_4 = arith.addi %scan3A, %scan3A_3 : i32
    %scan3A_5 = arith.constant 1 : i32
    scf.for %scan3A_53 = %scan3A to %scan3A_4 step %scan3A_5  : i32 {
      %mul3A_54 = arith.constant 1 : i32
      %mul3A_55 = arith.muli %scan3A_53, %mul3A_54 : i32
      %add3A_56 = arith.constant 0 : i32
      %add3A_57 = arith.addi %add3A_56, %mul3A_55 : i32
      %scan3A_58 = arith.constant 0 : i32
      %scan3A_59 = arith.constant 8 : i32
      %scan3A_60 = arith.addi %scan3A_58, %scan3A_59 : i32
      %scan3A_61 = arith.constant 1 : i32
      scf.for %scan3A_63 = %scan3A_58 to %scan3A_60 step %scan3A_61  : i32 {
        %mul3A_64 = arith.constant 16 : i32
        %mul3A_65 = arith.muli %scan3A_63, %mul3A_64 : i32
        %add3A_66 = arith.constant 0 : i32
        %add3A_67 = arith.addi %add3A_66, %mul3A_65 : i32
        %broadcast_in_dim3A = arith.constant 0.000000e+00 : f32
        %broadcast_in_dim3A_68 = vector.broadcast %broadcast_in_dim3A : f32 to vector<16xf32>
        %swap3A = arith.index_cast %add3A_57 : i32 to index
        %swap3A_69 = arith.index_cast %add3A_67 : i32 to index
        %swap3A_70 = tpu.vector_load %arg8[%swap3A, %swap3A_69] {strides = array<i32>} : memref<80x128xf32, #tpu.memory_space<vmem>>, vector<16xf32>,
        tpu.vector_store %arg8[%swap3A, %swap3A_69], %broadcast_in_dim3A_68 {strides = array<i32>} : memref<80x128xf32, #tpu.memory_space<vmem>>, vector<16xf32>,
      }
      %scan3A_62 = arith.constant 8 : i32
    }
    %scan3A_6 = arith.constant 80 : i32
    %scan3A_7 = arith.constant 0 : i32
    %scan3A_8 = arith.constant 128 : i32
    %scan3A_9 = arith.addi %scan3A_7, %scan3A_8 : i32
    %scan3A_10 = arith.constant 1 : i32
    scf.for %scan3A_53 = %scan3A_7 to %scan3A_9 step %scan3A_10  : i32 {
      %mul3A_54 = arith.constant 1 : i32
      %mul3A_55 = arith.muli %scan3A_53, %mul3A_54 : i32
      %add3A_56 = arith.constant 0 : i32
      %add3A_57 = arith.addi %add3A_56, %mul3A_55 : i32
      %scan3A_58 = arith.constant 0 : i32
      %scan3A_59 = arith.constant 8 : i32
      %scan3A_60 = arith.addi %scan3A_58, %scan3A_59 : i32
      %scan3A_61 = arith.constant 1 : i32
      scf.for %scan3A_63 = %scan3A_58 to %scan3A_60 step %scan3A_61  : i32 {
        %mul3A_64 = arith.constant 16 : i32
        %mul3A_65 = arith.muli %scan3A_63, %mul3A_64 : i32
        %add3A_66 = arith.constant 0 : i32
        %add3A_67 = arith.addi %add3A_66, %mul3A_65 : i32
        %broadcast_in_dim3A = arith.constant 0.000000e+00 : f32
        %broadcast_in_dim3A_68 = vector.broadcast %broadcast_in_dim3A : f32 to vector<16xf32>
        %swap3A = arith.constant 0 : i32
        %swap3A_69 = arith.index_cast %swap3A : i32 to index
        %swap3A_70 = arith.index_cast %add3A_57 : i32 to index
        %swap3A_71 = arith.index_cast %add3A_67 : i32 to index
        %swap3A_72 = tpu.vector_load %arg6[%swap3A_69, %swap3A_70, %swap3A_71] {strides = array<i32>} : memref<2x128x128xf32, #tpu.memory_space<vmem>>, vector<16xf32>,
        tpu.vector_store %arg6[%swap3A_69, %swap3A_70, %swap3A_71], %broadcast_in_dim3A_68 {strides = array<i32>} : memref<2x128x128xf32, #tpu.memory_space<vmem>>, vector<16xf32>,
      }
      %scan3A_62 = arith.constant 8 : i32
    }
    %scan3A_11 = arith.constant 128 : i32
    %scan3A_12 = arith.constant 0 : i32
    %scan3A_13 = arith.constant 5 : i32
    %scan3A_14 = arith.addi %scan3A_12, %scan3A_13 : i32
    %scan3A_15 = arith.constant 1 : i32
    scf.for %scan3A_53 = %scan3A_12 to %scan3A_14 step %scan3A_15  : i32 {
      %mul3A_54 = arith.constant 1 : i32
      %mul3A_55 = arith.muli %scan3A_53, %mul3A_54 : i32
      %add3A_56 = arith.constant 0 : i32
      %add3A_57 = arith.addi %add3A_56, %mul3A_55 : i32
      %mul3A_58 = arith.constant 16 : i32
      %mul3A_59 = arith.muli %add3A_57, %mul3A_58 : i32
      %add3A_60 = arith.addi %arg1, %mul3A_59 : i32
      %lt3A = arith.constant 79 : i32
      %lt3A_61 = arith.cmpi slt, %add3A_60, %lt3A : i32
      %convert_element_type3A = arith.extui %lt3A_61 : i1 to i32
      %cond3A = arith.constant 0 : i32
      %cond3A_62 = arith.cmpi ne, %convert_element_type3A, %cond3A : i32
      scf.if %cond3A_62 {
        %mul3A_63 = arith.constant 128 : i32
        %mul3A_64 = arith.muli %add3A_60, %mul3A_63 : i32
        %run_scoped3A = arith.constant 0 : i32
        "tpu.region"() ({
          %run_scoped3A_65 = tpu.sem_alloc : memref<!tpu.dma_semaphore, #tpu.memory_space<semaphore_mem>>
          %dma_start3A_66 = arith.constant 0 : i32
          %dma_start3A_67 = arith.constant 0 : i32
          %dma_start3A_68 = tpu.memref_slice %arg6[%run_scoped3A, %dma_start3A_66, %dma_start3A_67] : memref<2x128x128xf32, #tpu.memory_space<vmem>> -> memref<1x128x128xf32, #tpu.memory_space<vmem>>
          %dma_start3A_69 = tpu.memref_squeeze %dma_start3A_68 : memref<1x128x128xf32, #tpu.memory_space<vmem>> -> memref<128x128xf32, #tpu.memory_space<vmem>>
          %dma_start3A_70 = arith.constant 0 : i32
          %dma_start3A_71 = tpu.memref_slice %arg9[%mul3A_64, %dma_start3A_70] : memref<10112x128xf32, #tpu.memory_space<vmem_shared>> -> memref<128x128xf32, #tpu.memory_space<vmem_shared>>
          %dma_start3A_72 = arith.constant 0 : i32
          %dma_start3A_73 = tpu.memref_slice %arg9[%mul3A_64, %dma_start3A_72] : memref<10112x128xf32, #tpu.memory_space<vmem_shared>> -> memref<128x128xf32, #tpu.memory_space<vmem_shared>>
          %dma_start3A_74 = arith.constant 0 : i32
          %dma_start3A_75 = arith.constant 0 : i32
          %dma_start3A_76 = tpu.memref_slice %arg6[%run_scoped3A, %dma_start3A_74, %dma_start3A_75] : memref<2x128x128xf32, #tpu.memory_space<vmem>> -> memref<1x128x128xf32, #tpu.memory_space<vmem>>
          %dma_start3A_77 = tpu.memref_squeeze %dma_start3A_76 : memref<1x128x128xf32, #tpu.memory_space<vmem>> -> memref<128x128xf32, #tpu.memory_space<vmem>>
          tpu.enqueue_dma source(%dma_start3A_77 : memref<128x128xf32, #tpu.memory_space<vmem>>) target(%dma_start3A_73 : memref<128x128xf32, #tpu.memory_space<vmem_shared>>) target_semaphore(%run_scoped3A_65 : memref<!tpu.dma_semaphore, #tpu.memory_space<semaphore_mem>>)
          %dma_wait3A = arith.constant 0 : i32
          %dma_wait3A_78 = arith.constant 0 : i32
          %dma_wait3A_79 = tpu.memref_slice %arg6[%run_scoped3A, %dma_wait3A, %dma_wait3A_78] : memref<2x128x128xf32, #tpu.memory_space<vmem>> -> memref<1x128x128xf32, #tpu.memory_space<vmem>>
          %dma_wait3A_80 = tpu.memref_squeeze %dma_wait3A_79 : memref<1x128x128xf32, #tpu.memory_space<vmem>> -> memref<128x128xf32, #tpu.memory_space<vmem>>
          %dma_wait3A_81 = arith.constant 0 : i32
          %dma_wait3A_82 = tpu.memref_slice %arg9[%mul3A_64, %dma_wait3A_81] : memref<10112x128xf32, #tpu.memory_space<vmem_shared>> -> memref<128x128xf32, #tpu.memory_space<vmem_shared>>
          %dma_wait3A_83 = arith.constant 0 : i32
          %dma_wait3A_84 = tpu.memref_slice %arg9[%mul3A_64, %dma_wait3A_83] : memref<10112x128xf32, #tpu.memory_space<vmem_shared>> -> memref<128x128xf32, #tpu.memory_space<vmem_shared>>
          %dma_wait3A_85 = arith.constant 0 : i32
          %dma_wait3A_86 = arith.constant 0 : i32
          %dma_wait3A_87 = tpu.memref_slice %arg6[%run_scoped3A, %dma_wait3A_85, %dma_wait3A_86] : memref<2x128x128xf32, #tpu.memory_space<vmem>> -> memref<1x128x128xf32, #tpu.memory_space<vmem>>
          %dma_wait3A_88 = tpu.memref_squeeze %dma_wait3A_87 : memref<1x128x128xf32, #tpu.memory_space<vmem>> -> memref<128x128xf32, #tpu.memory_space<vmem>>
          tpu.wait_dma2 semaphore(%run_scoped3A_65 : memref<!tpu.dma_semaphore, #tpu.memory_space<semaphore_mem>>) src(%dma_wait3A_88 : memref<128x128xf32, #tpu.memory_space<vmem>>) dst(%dma_wait3A_84 : memref<128x128xf32, #tpu.memory_space<vmem_shared>>)
          tpu.yield
        }) : () -> ()
      } else {
      }
    }
    %scan3A_16 = arith.constant 5 : i32
    %barrier3A = arith.constant 0 : index
    tpu.barrier barrier_id(%barrier3A)
    %mul3A_17 = arith.constant 128 : i32
    %mul3A_18 = arith.muli %mul3A_2, %mul3A_17 : i32
    %dma_start3A = arith.constant 0 : i32
    %dma_start3A_19 = arith.constant 0 : i32
    %dma_start3A_20 = tpu.memref_slice %arg7[%dma_start3A, %dma_start3A_19] : memref<2x128xi32, #tpu.memory_space<vmem>> -> memref<1x128xi32, #tpu.memory_space<vmem>>
    %dma_start3A_21 = tpu.memref_squeeze %dma_start3A_20 : memref<1x128xi32, #tpu.memory_space<vmem>> -> memref<128xi32, #tpu.memory_space<vmem>>
    %dma_start3A_22 = tpu.memref_slice %arg3[%mul3A_18] : memref<323584xi32, #tpu.memory_space<hbm>> -> memref<128xi32, #tpu.memory_space<hbm>>
    %dma_start3A_23 = arith.constant 0 : i32
    %dma_start3A_24 = tpu.memref_slice %arg7[%dma_start3A, %dma_start3A_23] : memref<2x128xi32, #tpu.memory_space<vmem>> -> memref<1x128xi32, #tpu.memory_space<vmem>>
    %dma_start3A_25 = tpu.memref_squeeze %dma_start3A_24 : memref<1x128xi32, #tpu.memory_space<vmem>> -> memref<128xi32, #tpu.memory_space<vmem>>
    %dma_start3A_26 = tpu.memref_slice %arg3[%mul3A_18] : memref<323584xi32, #tpu.memory_space<hbm>> -> memref<128xi32, #tpu.memory_space<hbm>>
    tpu.enqueue_dma source(%dma_start3A_26 : memref<128xi32, #tpu.memory_space<hbm>>) target(%dma_start3A_25 : memref<128xi32, #tpu.memory_space<vmem>>) target_semaphore(%arg10 : memref<!tpu.dma_semaphore, #tpu.memory_space<semaphore_mem>>)
    %mul3A_27 = arith.constant 128 : i32
    %mul3A_28 = arith.muli %mul3A_2, %mul3A_27 : i32
    %dma_start3A_29 = arith.constant 0 : i32
    %dma_start3A_30 = arith.constant 0 : i32
    %dma_start3A_31 = arith.constant 0 : i32
    %dma_start3A_32 = tpu.memref_slice %arg6[%dma_start3A_29, %dma_start3A_30, %dma_start3A_31] : memref<2x128x128xf32, #tpu.memory_space<vmem>> -> memref<1x128x128xf32, #tpu.memory_space<vmem>>
    %dma_start3A_33 = tpu.memref_squeeze %dma_start3A_32 : memref<1x128x128xf32, #tpu.memory_space<vmem>> -> memref<128x128xf32, #tpu.memory_space<vmem>>
    %dma_start3A_34 = arith.constant 0 : i32
    %dma_start3A_35 = tpu.memref_slice %arg2[%mul3A_28, %dma_start3A_34] : memref<323584x128xf32, #tpu.memory_space<hbm>> -> memref<128x128xf32, #tpu.memory_space<hbm>>
    %dma_start3A_36 = arith.constant 0 : i32
    %dma_start3A_37 = arith.constant 0 : i32
    %dma_start3A_38 = tpu.memref_slice %arg6[%dma_start3A_29, %dma_start3A_36, %dma_start3A_37] : memref<2x128x128xf32, #tpu.memory_space<vmem>> -> memref<1x128x128xf32, #tpu.memory_space<vmem>>
    %dma_start3A_39 = tpu.memref_squeeze %dma_start3A_38 : memref<1x128x128xf32, #tpu.memory_space<vmem>> -> memref<128x128xf32, #tpu.memory_space<vmem>>
    %dma_start3A_40 = arith.constant 0 : i32
    %dma_start3A_41 = tpu.memref_slice %arg2[%mul3A_28, %dma_start3A_40] : memref<323584x128xf32, #tpu.memory_space<hbm>> -> memref<128x128xf32, #tpu.memory_space<hbm>>
    tpu.enqueue_dma source(%dma_start3A_41 : memref<128x128xf32, #tpu.memory_space<hbm>>) target(%dma_start3A_39 : memref<128x128xf32, #tpu.memory_space<vmem>>) target_semaphore(%arg10 : memref<!tpu.dma_semaphore, #tpu.memory_space<semaphore_mem>>)
    %scan3A_42 = arith.constant 0 : i32
    %scan3A_43 = arith.constant 79 : i32
    %scan3A_44 = arith.addi %scan3A_42, %scan3A_43 : i32
    %scan3A_45 = arith.constant 1 : i32
    scf.for %scan3A_53 = %scan3A_42 to %scan3A_44 step %scan3A_45  : i32 {
      %mul3A_54 = arith.constant 1 : i32
      %mul3A_55 = arith.muli %scan3A_53, %mul3A_54 : i32
      %add3A_56 = arith.constant 0 : i32
      %add3A_57 = arith.addi %add3A_56, %mul3A_55 : i32
      %add3A_58 = arith.addi %mul3A_2, %add3A_57 : i32
      %rem3A = arith.constant 2 : i32
      %rem3A_59 = arith.remsi %add3A_57, %rem3A : i32
      %eq3A = arith.constant 0 : i32
      %eq3A_60 = arith.cmpi eq, %rem3A_59, %eq3A : i32
      %convert_element_type3A = arith.extui %eq3A_60 : i1 to i32
      %cond3A = arith.constant 0 : i32
      %cond3A_61 = arith.cmpi ne, %convert_element_type3A, %cond3A : i32
      scf.if %cond3A_61 {
        %mul3A_69 = arith.constant 128 : i32
        %mul3A_70 = arith.muli %add3A_58, %mul3A_69 : i32
        %dma_wait3A = arith.constant 0 : i32
        %dma_wait3A_71 = arith.constant 0 : i32
        %dma_wait3A_72 = tpu.memref_slice %arg7[%dma_wait3A, %dma_wait3A_71] : memref<2x128xi32, #tpu.memory_space<vmem>> -> memref<1x128xi32, #tpu.memory_space<vmem>>
        %dma_wait3A_73 = tpu.memref_squeeze %dma_wait3A_72 : memref<1x128xi32, #tpu.memory_space<vmem>> -> memref<128xi32, #tpu.memory_space<vmem>>
        %dma_wait3A_74 = tpu.memref_slice %arg3[%mul3A_70] : memref<323584xi32, #tpu.memory_space<hbm>> -> memref<128xi32, #tpu.memory_space<hbm>>
        %dma_wait3A_75 = arith.constant 0 : i32
        %dma_wait3A_76 = tpu.memref_slice %arg7[%dma_wait3A, %dma_wait3A_75] : memref<2x128xi32, #tpu.memory_space<vmem>> -> memref<1x128xi32, #tpu.memory_space<vmem>>
        %dma_wait3A_77 = tpu.memref_squeeze %dma_wait3A_76 : memref<1x128xi32, #tpu.memory_space<vmem>> -> memref<128xi32, #tpu.memory_space<vmem>>
        %dma_wait3A_78 = tpu.memref_slice %arg3[%mul3A_70] : memref<323584xi32, #tpu.memory_space<hbm>> -> memref<128xi32, #tpu.memory_space<hbm>>
        tpu.wait_dma2 semaphore(%arg10 : memref<!tpu.dma_semaphore, #tpu.memory_space<semaphore_mem>>) src(%dma_wait3A_78 : memref<128xi32, #tpu.memory_space<hbm>>) dst(%dma_wait3A_77 : memref<128xi32, #tpu.memory_space<vmem>>)
        %mul3A_79 = arith.constant 128 : i32
        %mul3A_80 = arith.muli %add3A_58, %mul3A_79 : i32
        %dma_wait3A_81 = arith.constant 0 : i32
        %dma_wait3A_82 = arith.constant 0 : i32
        %dma_wait3A_83 = arith.constant 0 : i32
        %dma_wait3A_84 = tpu.memref_slice %arg6[%dma_wait3A_81, %dma_wait3A_82, %dma_wait3A_83] : memref<2x128x128xf32, #tpu.memory_space<vmem>> -> memref<1x128x128xf32, #tpu.memory_space<vmem>>
        %dma_wait3A_85 = tpu.memref_squeeze %dma_wait3A_84 : memref<1x128x128xf32, #tpu.memory_space<vmem>> -> memref<128x128xf32, #tpu.memory_space<vmem>>
        %dma_wait3A_86 = arith.constant 0 : i32
        %dma_wait3A_87 = tpu.memref_slice %arg2[%mul3A_80, %dma_wait3A_86] : memref<323584x128xf32, #tpu.memory_space<hbm>> -> memref<128x128xf32, #tpu.memory_space<hbm>>
        %dma_wait3A_88 = arith.constant 0 : i32
        %dma_wait3A_89 = arith.constant 0 : i32
        %dma_wait3A_90 = tpu.memref_slice %arg6[%dma_wait3A_81, %dma_wait3A_88, %dma_wait3A_89] : memref<2x128x128xf32, #tpu.memory_space<vmem>> -> memref<1x128x128xf32, #tpu.memory_space<vmem>>
        %dma_wait3A_91 = tpu.memref_squeeze %dma_wait3A_90 : memref<1x128x128xf32, #tpu.memory_space<vmem>> -> memref<128x128xf32, #tpu.memory_space<vmem>>
        %dma_wait3A_92 = arith.constant 0 : i32
        %dma_wait3A_93 = tpu.memref_slice %arg2[%mul3A_80, %dma_wait3A_92] : memref<323584x128xf32, #tpu.memory_space<hbm>> -> memref<128x128xf32, #tpu.memory_space<hbm>>
        tpu.wait_dma2 semaphore(%arg10 : memref<!tpu.dma_semaphore, #tpu.memory_space<semaphore_mem>>) src(%dma_wait3A_93 : memref<128x128xf32, #tpu.memory_space<hbm>>) dst(%dma_wait3A_91 : memref<128x128xf32, #tpu.memory_space<vmem>>)
        %add3A_94 = arith.constant 1 : i32
        %add3A_95 = arith.addi %add3A_57, %add3A_94 : i32
        %lt3A = arith.constant 79 : i32
        %lt3A_96 = arith.cmpi slt, %add3A_95, %lt3A : i32
        %convert_element_type3A_97 = arith.extui %lt3A_96 : i1 to i32
        %cond3A_98 = arith.constant 0 : i32
        %cond3A_99 = arith.cmpi ne, %convert_element_type3A_97, %cond3A_98 : i32
        scf.if %cond3A_99 {
          %add3A_193 = arith.constant 1 : i32
          %add3A_194 = arith.addi %add3A_58, %add3A_193 : i32
          %mul3A_195 = arith.constant 128 : i32
          %mul3A_196 = arith.muli %add3A_194, %mul3A_195 : i32
          %dma_start3A_197 = arith.constant 1 : i32
          %dma_start3A_198 = arith.constant 0 : i32
          %dma_start3A_199 = tpu.memref_slice %arg7[%dma_start3A_197, %dma_start3A_198] : memref<2x128xi32, #tpu.memory_space<vmem>> -> memref<1x128xi32, #tpu.memory_space<vmem>>
          %dma_start3A_200 = tpu.memref_squeeze %dma_start3A_199 : memref<1x128xi32, #tpu.memory_space<vmem>> -> memref<128xi32, #tpu.memory_space<vmem>>
          %dma_start3A_201 = tpu.memref_slice %arg3[%mul3A_196] : memref<323584xi32, #tpu.memory_space<hbm>> -> memref<128xi32, #tpu.memory_space<hbm>>
          %dma_start3A_202 = arith.constant 0 : i32
          %dma_start3A_203 = tpu.memref_slice %arg7[%dma_start3A_197, %dma_start3A_202] : memref<2x128xi32, #tpu.memory_space<vmem>> -> memref<1x128xi32, #tpu.memory_space<vmem>>
          %dma_start3A_204 = tpu.memref_squeeze %dma_start3A_203 : memref<1x128xi32, #tpu.memory_space<vmem>> -> memref<128xi32, #tpu.memory_space<vmem>>
          %dma_start3A_205 = tpu.memref_slice %arg3[%mul3A_196] : memref<323584xi32, #tpu.memory_space<hbm>> -> memref<128xi32, #tpu.memory_space<hbm>>
          tpu.enqueue_dma source(%dma_start3A_205 : memref<128xi32, #tpu.memory_space<hbm>>) target(%dma_start3A_204 : memref<128xi32, #tpu.memory_space<vmem>>) target_semaphore(%arg11 : memref<!tpu.dma_semaphore, #tpu.memory_space<semaphore_mem>>)
          %mul3A_206 = arith.constant 128 : i32
          %mul3A_207 = arith.muli %add3A_194, %mul3A_206 : i32
          %dma_start3A_208 = arith.constant 1 : i32
          %dma_start3A_209 = arith.constant 0 : i32
          %dma_start3A_210 = arith.constant 0 : i32
          %dma_start3A_211 = tpu.memref_slice %arg6[%dma_start3A_208, %dma_start3A_209, %dma_start3A_210] : memref<2x128x128xf32, #tpu.memory_space<vmem>> -> memref<1x128x128xf32, #tpu.memory_space<vmem>>
          %dma_start3A_212 = tpu.memref_squeeze %dma_start3A_211 : memref<1x128x128xf32, #tpu.memory_space<vmem>> -> memref<128x128xf32, #tpu.memory_space<vmem>>
          %dma_start3A_213 = arith.constant 0 : i32
          %dma_start3A_214 = tpu.memref_slice %arg2[%mul3A_207, %dma_start3A_213] : memref<323584x128xf32, #tpu.memory_space<hbm>> -> memref<128x128xf32, #tpu.memory_space<hbm>>
          %dma_start3A_215 = arith.constant 0 : i32
          %dma_start3A_216 = arith.constant 0 : i32
          %dma_start3A_217 = tpu.memref_slice %arg6[%dma_start3A_208, %dma_start3A_215, %dma_start3A_216] : memref<2x128x128xf32, #tpu.memory_space<vmem>> -> memref<1x128x128xf32, #tpu.memory_space<vmem>>
          %dma_start3A_218 = tpu.memref_squeeze %dma_start3A_217 : memref<1x128x128xf32, #tpu.memory_space<vmem>> -> memref<128x128xf32, #tpu.memory_space<vmem>>
          %dma_start3A_219 = arith.constant 0 : i32
          %dma_start3A_220 = tpu.memref_slice %arg2[%mul3A_207, %dma_start3A_219] : memref<323584x128xf32, #tpu.memory_space<hbm>> -> memref<128x128xf32, #tpu.memory_space<hbm>>
          tpu.enqueue_dma source(%dma_start3A_220 : memref<128x128xf32, #tpu.memory_space<hbm>>) target(%dma_start3A_218 : memref<128x128xf32, #tpu.memory_space<vmem>>) target_semaphore(%arg11 : memref<!tpu.dma_semaphore, #tpu.memory_space<semaphore_mem>>)
        } else {
        }
        %run_scoped3A = arith.constant 0 : i32
        %run_scoped3A_100 = arith.constant 0 : i32
        "tpu.region"() ({
          %run_scoped3A_193 = tpu.sem_alloc : memref<!tpu.dma_semaphore, #tpu.memory_space<semaphore_mem>>
          %dma_start3A_194 = arith.constant 0 : i32
          %dma_start3A_195 = arith.constant 0 : i32
          %dma_start3A_196 = tpu.memref_slice %arg6[%run_scoped3A, %dma_start3A_194, %dma_start3A_195] : memref<2x128x128xf32, #tpu.memory_space<vmem>> -> memref<1x128x128xf32, #tpu.memory_space<vmem>>
          %dma_start3A_197 = tpu.memref_squeeze %dma_start3A_196 : memref<1x128x128xf32, #tpu.memory_space<vmem>> -> memref<128x128xf32, #tpu.memory_space<vmem>>
          %dma_start3A_198 = arith.constant 0 : i32
          %dma_start3A_199 = tpu.memref_slice %arg7[%run_scoped3A_100, %dma_start3A_198] : memref<2x128xi32, #tpu.memory_space<vmem>> -> memref<1x128xi32, #tpu.memory_space<vmem>>
          %dma_start3A_200 = tpu.memref_squeeze %dma_start3A_199 : memref<1x128xi32, #tpu.memory_space<vmem>> -> memref<128xi32, #tpu.memory_space<vmem>>
          %dma_start3A_201 = arith.constant 0 : i32
          %dma_start3A_202 = arith.constant 0 : i32
          %dma_start3A_203 = tpu.memref_slice %arg9[%dma_start3A_201, %dma_start3A_202] : memref<10112x128xf32, #tpu.memory_space<vmem_shared>> -> memref<10112x128xf32, #tpu.memory_space<vmem_shared>>
          tpu.enqueue_indirect_dma source(%dma_start3A_197 : memref<128x128xf32, #tpu.memory_space<vmem>>) target(%dma_start3A_203 : memref<10112x128xf32, #tpu.memory_space<vmem_shared>>) offsets(%dma_start3A_200 : memref<128xi32, #tpu.memory_space<vmem>>) semaphore(%run_scoped3A_193 : memref<!tpu.dma_semaphore, #tpu.memory_space<semaphore_mem>>) {add = true}
          %dma_wait3A_204 = arith.constant 0 : i32
          %dma_wait3A_205 = arith.constant 0 : i32
          %dma_wait3A_206 = tpu.memref_slice %arg6[%run_scoped3A, %dma_wait3A_204, %dma_wait3A_205] : memref<2x128x128xf32, #tpu.memory_space<vmem>> -> memref<1x128x128xf32, #tpu.memory_space<vmem>>
          %dma_wait3A_207 = tpu.memref_squeeze %dma_wait3A_206 : memref<1x128x128xf32, #tpu.memory_space<vmem>> -> memref<128x128xf32, #tpu.memory_space<vmem>>
          %dma_wait3A_208 = arith.constant 0 : i32
          %dma_wait3A_209 = tpu.memref_slice %arg7[%run_scoped3A_100, %dma_wait3A_208] : memref<2x128xi32, #tpu.memory_space<vmem>> -> memref<1x128xi32, #tpu.memory_space<vmem>>
          %dma_wait3A_210 = tpu.memref_squeeze %dma_wait3A_209 : memref<1x128xi32, #tpu.memory_space<vmem>> -> memref<128xi32, #tpu.memory_space<vmem>>
          %dma_wait3A_211 = arith.constant 0 : i32
          %dma_wait3A_212 = arith.constant 0 : i32
          %dma_wait3A_213 = tpu.memref_slice %arg9[%dma_wait3A_211, %dma_wait3A_212] : memref<10112x128xf32, #tpu.memory_space<vmem_shared>> -> memref<10112x128xf32, #tpu.memory_space<vmem_shared>>
          tpu.wait_indirect_dma semaphore(%run_scoped3A_193 : memref<!tpu.dma_semaphore, #tpu.memory_space<semaphore_mem>>) src(%dma_wait3A_207 : memref<128x128xf32, #tpu.memory_space<vmem>>) dst(%dma_wait3A_213 : memref<10112x128xf32, #tpu.memory_space<vmem_shared>>)
          tpu.yield
        }) : () -> ()
        %get3A = arith.constant 0 : i32
        %get3A_101 = arith.index_cast %get3A : i32 to index
        %get3A_102 = arith.constant 0 : index
        %get3A_103 = tpu.vector_load %arg7[%get3A_101, %get3A_102] {strides = array<i32>} : memref<2x128xi32, #tpu.memory_space<vmem>>, vector<16xi32>,
        %shift_right_logical3A = arith.constant 7 : i32
        %shift_right_logical3A_104 = vector.broadcast %shift_right_logical3A : i32 to vector<16xi32>
        %shift_right_logical3A_105 = arith.shrui %get3A_103, %shift_right_logical3A_104 : vector<16xi32>
        %and3A = arith.constant 127 : i32
        %and3A_106 = vector.broadcast %and3A : i32 to vector<16xi32>
        %and3A_107 = arith.andi %get3A_103, %and3A_106 : vector<16xi32>
        %broadcast_in_dim3A = arith.constant 1.000000e+00 : f32
        %broadcast_in_dim3A_108 = vector.broadcast %broadcast_in_dim3A : f32 to vector<16xf32>
        tpu.vector_store_idx %arg8[%shift_right_logical3A_105, %and3A_107], %broadcast_in_dim3A_108 {add = true} : memref<80x128xf32, #tpu.memory_space<vmem>>[vector<16xi32>, vector<16xi32>], vector<16xf32>,
        %get3A_109 = arith.constant 0 : i32
        %get3A_110 = arith.index_cast %get3A_109 : i32 to index
        %get3A_111 = arith.constant 16 : index
        %get3A_112 = tpu.vector_load %arg7[%get3A_110, %get3A_111] {strides = array<i32>} : memref<2x128xi32, #tpu.memory_space<vmem>>, vector<16xi32>,
        %shift_right_logical3A_113 = arith.constant 7 : i32
        %shift_right_logical3A_114 = vector.broadcast %shift_right_logical3A_113 : i32 to vector<16xi32>
        %shift_right_logical3A_115 = arith.shrui %get3A_112, %shift_right_logical3A_114 : vector<16xi32>
        %and3A_116 = arith.constant 127 : i32
        %and3A_117 = vector.broadcast %and3A_116 : i32 to vector<16xi32>
        %and3A_118 = arith.andi %get3A_112, %and3A_117 : vector<16xi32>
        %broadcast_in_dim3A_119 = arith.constant 1.000000e+00 : f32
        %broadcast_in_dim3A_120 = vector.broadcast %broadcast_in_dim3A_119 : f32 to vector<16xf32>
        tpu.vector_store_idx %arg8[%shift_right_logical3A_115, %and3A_118], %broadcast_in_dim3A_120 {add = true} : memref<80x128xf32, #tpu.memory_space<vmem>>[vector<16xi32>, vector<16xi32>], vector<16xf32>,
        %get3A_121 = arith.constant 0 : i32
        %get3A_122 = arith.index_cast %get3A_121 : i32 to index
        %get3A_123 = arith.constant 32 : index
        %get3A_124 = tpu.vector_load %arg7[%get3A_122, %get3A_123] {strides = array<i32>} : memref<2x128xi32, #tpu.memory_space<vmem>>, vector<16xi32>,
        %shift_right_logical3A_125 = arith.constant 7 : i32
        %shift_right_logical3A_126 = vector.broadcast %shift_right_logical3A_125 : i32 to vector<16xi32>
        %shift_right_logical3A_127 = arith.shrui %get3A_124, %shift_right_logical3A_126 : vector<16xi32>
        %and3A_128 = arith.constant 127 : i32
        %and3A_129 = vector.broadcast %and3A_128 : i32 to vector<16xi32>
        %and3A_130 = arith.andi %get3A_124, %and3A_129 : vector<16xi32>
        %broadcast_in_dim3A_131 = arith.constant 1.000000e+00 : f32
        %broadcast_in_dim3A_132 = vector.broadcast %broadcast_in_dim3A_131 : f32 to vector<16xf32>
        tpu.vector_store_idx %arg8[%shift_right_logical3A_127, %and3A_130], %broadcast_in_dim3A_132 {add = true} : memref<80x128xf32, #tpu.memory_space<vmem>>[vector<16xi32>, vector<16xi32>], vector<16xf32>,
        %get3A_133 = arith.constant 0 : i32
        %get3A_134 = arith.index_cast %get3A_133 : i32 to index
        %get3A_135 = arith.constant 48 : index
        %get3A_136 = tpu.vector_load %arg7[%get3A_134, %get3A_135] {strides = array<i32>} : memref<2x128xi32, #tpu.memory_space<vmem>>, vector<16xi32>,
        %shift_right_logical3A_137 = arith.constant 7 : i32
        %shift_right_logical3A_138 = vector.broadcast %shift_right_logical3A_137 : i32 to vector<16xi32>
        %shift_right_logical3A_139 = arith.shrui %get3A_136, %shift_right_logical3A_138 : vector<16xi32>
        %and3A_140 = arith.constant 127 : i32
        %and3A_141 = vector.broadcast %and3A_140 : i32 to vector<16xi32>
        %and3A_142 = arith.andi %get3A_136, %and3A_141 : vector<16xi32>
        %broadcast_in_dim3A_143 = arith.constant 1.000000e+00 : f32
        %broadcast_in_dim3A_144 = vector.broadcast %broadcast_in_dim3A_143 : f32 to vector<16xf32>
        tpu.vector_store_idx %arg8[%shift_right_logical3A_139, %and3A_142], %broadcast_in_dim3A_144 {add = true} : memref<80x128xf32, #tpu.memory_space<vmem>>[vector<16xi32>, vector<16xi32>], vector<16xf32>,
        %get3A_145 = arith.constant 0 : i32
        %get3A_146 = arith.index_cast %get3A_145 : i32 to index
        %get3A_147 = arith.constant 64 : index
        %get3A_148 = tpu.vector_load %arg7[%get3A_146, %get3A_147] {strides = array<i32>} : memref<2x128xi32, #tpu.memory_space<vmem>>, vector<16xi32>,
        %shift_right_logical3A_149 = arith.constant 7 : i32
        %shift_right_logical3A_150 = vector.broadcast %shift_right_logical3A_149 : i32 to vector<16xi32>
        %shift_right_logical3A_151 = arith.shrui %get3A_148, %shift_right_logical3A_150 : vector<16xi32>
        %and3A_152 = arith.constant 127 : i32
        %and3A_153 = vector.broadcast %and3A_152 : i32 to vector<16xi32>
        %and3A_154 = arith.andi %get3A_148, %and3A_153 : vector<16xi32>
        %broadcast_in_dim3A_155 = arith.constant 1.000000e+00 : f32
        %broadcast_in_dim3A_156 = vector.broadcast %broadcast_in_dim3A_155 : f32 to vector<16xf32>
        tpu.vector_store_idx %arg8[%shift_right_logical3A_151, %and3A_154], %broadcast_in_dim3A_156 {add = true} : memref<80x128xf32, #tpu.memory_space<vmem>>[vector<16xi32>, vector<16xi32>], vector<16xf32>,
        %get3A_157 = arith.constant 0 : i32
        %get3A_158 = arith.index_cast %get3A_157 : i32 to index
        %get3A_159 = arith.constant 80 : index
        %get3A_160 = tpu.vector_load %arg7[%get3A_158, %get3A_159] {strides = array<i32>} : memref<2x128xi32, #tpu.memory_space<vmem>>, vector<16xi32>,
        %shift_right_logical3A_161 = arith.constant 7 : i32
        %shift_right_logical3A_162 = vector.broadcast %shift_right_logical3A_161 : i32 to vector<16xi32>
        %shift_right_logical3A_163 = arith.shrui %get3A_160, %shift_right_logical3A_162 : vector<16xi32>
        %and3A_164 = arith.constant 127 : i32
        %and3A_165 = vector.broadcast %and3A_164 : i32 to vector<16xi32>
        %and3A_166 = arith.andi %get3A_160, %and3A_165 : vector<16xi32>
        %broadcast_in_dim3A_167 = arith.constant 1.000000e+00 : f32
        %broadcast_in_dim3A_168 = vector.broadcast %broadcast_in_dim3A_167 : f32 to vector<16xf32>
        tpu.vector_store_idx %arg8[%shift_right_logical3A_163, %and3A_166], %broadcast_in_dim3A_168 {add = true} : memref<80x128xf32, #tpu.memory_space<vmem>>[vector<16xi32>, vector<16xi32>], vector<16xf32>,
        %get3A_169 = arith.constant 0 : i32
        %get3A_170 = arith.index_cast %get3A_169 : i32 to index
        %get3A_171 = arith.constant 96 : index
        %get3A_172 = tpu.vector_load %arg7[%get3A_170, %get3A_171] {strides = array<i32>} : memref<2x128xi32, #tpu.memory_space<vmem>>, vector<16xi32>,
        %shift_right_logical3A_173 = arith.constant 7 : i32
        %shift_right_logical3A_174 = vector.broadcast %shift_right_logical3A_173 : i32 to vector<16xi32>
        %shift_right_logical3A_175 = arith.shrui %get3A_172, %shift_right_logical3A_174 : vector<16xi32>
        %and3A_176 = arith.constant 127 : i32
        %and3A_177 = vector.broadcast %and3A_176 : i32 to vector<16xi32>
        %and3A_178 = arith.andi %get3A_172, %and3A_177 : vector<16xi32>
        %broadcast_in_dim3A_179 = arith.constant 1.000000e+00 : f32
        %broadcast_in_dim3A_180 = vector.broadcast %broadcast_in_dim3A_179 : f32 to vector<16xf32>
        tpu.vector_store_idx %arg8[%shift_right_logical3A_175, %and3A_178], %broadcast_in_dim3A_180 {add = true} : memref<80x128xf32, #tpu.memory_space<vmem>>[vector<16xi32>, vector<16xi32>], vector<16xf32>,
        %get3A_181 = arith.constant 0 : i32
        %get3A_182 = arith.index_cast %get3A_181 : i32 to index
        %get3A_183 = arith.constant 112 : index
        %get3A_184 = tpu.vector_load %arg7[%get3A_182, %get3A_183] {strides = array<i32>} : memref<2x128xi32, #tpu.memory_space<vmem>>, vector<16xi32>,
        %shift_right_logical3A_185 = arith.constant 7 : i32
        %shift_right_logical3A_186 = vector.broadcast %shift_right_logical3A_185 : i32 to vector<16xi32>
        %shift_right_logical3A_187 = arith.shrui %get3A_184, %shift_right_logical3A_186 : vector<16xi32>
        %and3A_188 = arith.constant 127 : i32
        %and3A_189 = vector.broadcast %and3A_188 : i32 to vector<16xi32>
        %and3A_190 = arith.andi %get3A_184, %and3A_189 : vector<16xi32>
        %broadcast_in_dim3A_191 = arith.constant 1.000000e+00 : f32
        %broadcast_in_dim3A_192 = vector.broadcast %broadcast_in_dim3A_191 : f32 to vector<16xf32>
        tpu.vector_store_idx %arg8[%shift_right_logical3A_187, %and3A_190], %broadcast_in_dim3A_192 {add = true} : memref<80x128xf32, #tpu.memory_space<vmem>>[vector<16xi32>, vector<16xi32>], vector<16xf32>,
      } else {
      }
      %rem3A_62 = arith.constant 2 : i32
      %rem3A_63 = arith.remsi %add3A_57, %rem3A_62 : i32
      %eq3A_64 = arith.constant 1 : i32
      %eq3A_65 = arith.cmpi eq, %rem3A_63, %eq3A_64 : i32
      %convert_element_type3A_66 = arith.extui %eq3A_65 : i1 to i32
      %cond3A_67 = arith.constant 0 : i32
      %cond3A_68 = arith.cmpi ne, %convert_element_type3A_66, %cond3A_67 : i32
      scf.if %cond3A_68 {
        %mul3A_69 = arith.constant 128 : i32
        %mul3A_70 = arith.muli %add3A_58, %mul3A_69 : i32
        %dma_wait3A = arith.constant 1 : i32
        %dma_wait3A_71 = arith.constant 0 : i32
        %dma_wait3A_72 = tpu.memref_slice %arg7[%dma_wait3A, %dma_wait3A_71] : memref<2x128xi32, #tpu.memory_space<vmem>> -> memref<1x128xi32, #tpu.memory_space<vmem>>
        %dma_wait3A_73 = tpu.memref_squeeze %dma_wait3A_72 : memref<1x128xi32, #tpu.memory_space<vmem>> -> memref<128xi32, #tpu.memory_space<vmem>>
        %dma_wait3A_74 = tpu.memref_slice %arg3[%mul3A_70] : memref<323584xi32, #tpu.memory_space<hbm>> -> memref<128xi32, #tpu.memory_space<hbm>>
        %dma_wait3A_75 = arith.constant 0 : i32
        %dma_wait3A_76 = tpu.memref_slice %arg7[%dma_wait3A, %dma_wait3A_75] : memref<2x128xi32, #tpu.memory_space<vmem>> -> memref<1x128xi32, #tpu.memory_space<vmem>>
        %dma_wait3A_77 = tpu.memref_squeeze %dma_wait3A_76 : memref<1x128xi32, #tpu.memory_space<vmem>> -> memref<128xi32, #tpu.memory_space<vmem>>
        %dma_wait3A_78 = tpu.memref_slice %arg3[%mul3A_70] : memref<323584xi32, #tpu.memory_space<hbm>> -> memref<128xi32, #tpu.memory_space<hbm>>
        tpu.wait_dma2 semaphore(%arg11 : memref<!tpu.dma_semaphore, #tpu.memory_space<semaphore_mem>>) src(%dma_wait3A_78 : memref<128xi32, #tpu.memory_space<hbm>>) dst(%dma_wait3A_77 : memref<128xi32, #tpu.memory_space<vmem>>)
        %mul3A_79 = arith.constant 128 : i32
        %mul3A_80 = arith.muli %add3A_58, %mul3A_79 : i32
        %dma_wait3A_81 = arith.constant 1 : i32
        %dma_wait3A_82 = arith.constant 0 : i32
        %dma_wait3A_83 = arith.constant 0 : i32
        %dma_wait3A_84 = tpu.memref_slice %arg6[%dma_wait3A_81, %dma_wait3A_82, %dma_wait3A_83] : memref<2x128x128xf32, #tpu.memory_space<vmem>> -> memref<1x128x128xf32, #tpu.memory_space<vmem>>
        %dma_wait3A_85 = tpu.memref_squeeze %dma_wait3A_84 : memref<1x128x128xf32, #tpu.memory_space<vmem>> -> memref<128x128xf32, #tpu.memory_space<vmem>>
        %dma_wait3A_86 = arith.constant 0 : i32
        %dma_wait3A_87 = tpu.memref_slice %arg2[%mul3A_80, %dma_wait3A_86] : memref<323584x128xf32, #tpu.memory_space<hbm>> -> memref<128x128xf32, #tpu.memory_space<hbm>>
        %dma_wait3A_88 = arith.constant 0 : i32
        %dma_wait3A_89 = arith.constant 0 : i32
        %dma_wait3A_90 = tpu.memref_slice %arg6[%dma_wait3A_81, %dma_wait3A_88, %dma_wait3A_89] : memref<2x128x128xf32, #tpu.memory_space<vmem>> -> memref<1x128x128xf32, #tpu.memory_space<vmem>>
        %dma_wait3A_91 = tpu.memref_squeeze %dma_wait3A_90 : memref<1x128x128xf32, #tpu.memory_space<vmem>> -> memref<128x128xf32, #tpu.memory_space<vmem>>
        %dma_wait3A_92 = arith.constant 0 : i32
        %dma_wait3A_93 = tpu.memref_slice %arg2[%mul3A_80, %dma_wait3A_92] : memref<323584x128xf32, #tpu.memory_space<hbm>> -> memref<128x128xf32, #tpu.memory_space<hbm>>
        tpu.wait_dma2 semaphore(%arg11 : memref<!tpu.dma_semaphore, #tpu.memory_space<semaphore_mem>>) src(%dma_wait3A_93 : memref<128x128xf32, #tpu.memory_space<hbm>>) dst(%dma_wait3A_91 : memref<128x128xf32, #tpu.memory_space<vmem>>)
        %add3A_94 = arith.constant 1 : i32
        %add3A_95 = arith.addi %add3A_57, %add3A_94 : i32
        %lt3A = arith.constant 79 : i32
        %lt3A_96 = arith.cmpi slt, %add3A_95, %lt3A : i32
        %convert_element_type3A_97 = arith.extui %lt3A_96 : i1 to i32
        %cond3A_98 = arith.constant 0 : i32
        %cond3A_99 = arith.cmpi ne, %convert_element_type3A_97, %cond3A_98 : i32
        scf.if %cond3A_99 {
          %add3A_193 = arith.constant 1 : i32
          %add3A_194 = arith.addi %add3A_58, %add3A_193 : i32
          %mul3A_195 = arith.constant 128 : i32
          %mul3A_196 = arith.muli %add3A_194, %mul3A_195 : i32
          %dma_start3A_197 = arith.constant 0 : i32
          %dma_start3A_198 = arith.constant 0 : i32
          %dma_start3A_199 = tpu.memref_slice %arg7[%dma_start3A_197, %dma_start3A_198] : memref<2x128xi32, #tpu.memory_space<vmem>> -> memref<1x128xi32, #tpu.memory_space<vmem>>
          %dma_start3A_200 = tpu.memref_squeeze %dma_start3A_199 : memref<1x128xi32, #tpu.memory_space<vmem>> -> memref<128xi32, #tpu.memory_space<vmem>>
          %dma_start3A_201 = tpu.memref_slice %arg3[%mul3A_196] : memref<323584xi32, #tpu.memory_space<hbm>> -> memref<128xi32, #tpu.memory_space<hbm>>
          %dma_start3A_202 = arith.constant 0 : i32
          %dma_start3A_203 = tpu.memref_slice %arg7[%dma_start3A_197, %dma_start3A_202] : memref<2x128xi32, #tpu.memory_space<vmem>> -> memref<1x128xi32, #tpu.memory_space<vmem>>
          %dma_start3A_204 = tpu.memref_squeeze %dma_start3A_203 : memref<1x128xi32, #tpu.memory_space<vmem>> -> memref<128xi32, #tpu.memory_space<vmem>>
          %dma_start3A_205 = tpu.memref_slice %arg3[%mul3A_196] : memref<323584xi32, #tpu.memory_space<hbm>> -> memref<128xi32, #tpu.memory_space<hbm>>
          tpu.enqueue_dma source(%dma_start3A_205 : memref<128xi32, #tpu.memory_space<hbm>>) target(%dma_start3A_204 : memref<128xi32, #tpu.memory_space<vmem>>) target_semaphore(%arg10 : memref<!tpu.dma_semaphore, #tpu.memory_space<semaphore_mem>>)
          %mul3A_206 = arith.constant 128 : i32
          %mul3A_207 = arith.muli %add3A_194, %mul3A_206 : i32
          %dma_start3A_208 = arith.constant 0 : i32
          %dma_start3A_209 = arith.constant 0 : i32
          %dma_start3A_210 = arith.constant 0 : i32
          %dma_start3A_211 = tpu.memref_slice %arg6[%dma_start3A_208, %dma_start3A_209, %dma_start3A_210] : memref<2x128x128xf32, #tpu.memory_space<vmem>> -> memref<1x128x128xf32, #tpu.memory_space<vmem>>
          %dma_start3A_212 = tpu.memref_squeeze %dma_start3A_211 : memref<1x128x128xf32, #tpu.memory_space<vmem>> -> memref<128x128xf32, #tpu.memory_space<vmem>>
          %dma_start3A_213 = arith.constant 0 : i32
          %dma_start3A_214 = tpu.memref_slice %arg2[%mul3A_207, %dma_start3A_213] : memref<323584x128xf32, #tpu.memory_space<hbm>> -> memref<128x128xf32, #tpu.memory_space<hbm>>
          %dma_start3A_215 = arith.constant 0 : i32
          %dma_start3A_216 = arith.constant 0 : i32
          %dma_start3A_217 = tpu.memref_slice %arg6[%dma_start3A_208, %dma_start3A_215, %dma_start3A_216] : memref<2x128x128xf32, #tpu.memory_space<vmem>> -> memref<1x128x128xf32, #tpu.memory_space<vmem>>
          %dma_start3A_218 = tpu.memref_squeeze %dma_start3A_217 : memref<1x128x128xf32, #tpu.memory_space<vmem>> -> memref<128x128xf32, #tpu.memory_space<vmem>>
          %dma_start3A_219 = arith.constant 0 : i32
          %dma_start3A_220 = tpu.memref_slice %arg2[%mul3A_207, %dma_start3A_219] : memref<323584x128xf32, #tpu.memory_space<hbm>> -> memref<128x128xf32, #tpu.memory_space<hbm>>
          tpu.enqueue_dma source(%dma_start3A_220 : memref<128x128xf32, #tpu.memory_space<hbm>>) target(%dma_start3A_218 : memref<128x128xf32, #tpu.memory_space<vmem>>) target_semaphore(%arg10 : memref<!tpu.dma_semaphore, #tpu.memory_space<semaphore_mem>>)
        } else {
        }
        %run_scoped3A = arith.constant 1 : i32
        %run_scoped3A_100 = arith.constant 1 : i32
        "tpu.region"() ({
          %run_scoped3A_193 = tpu.sem_alloc : memref<!tpu.dma_semaphore, #tpu.memory_space<semaphore_mem>>
          %dma_start3A_194 = arith.constant 0 : i32
          %dma_start3A_195 = arith.constant 0 : i32
          %dma_start3A_196 = tpu.memref_slice %arg6[%run_scoped3A, %dma_start3A_194, %dma_start3A_195] : memref<2x128x128xf32, #tpu.memory_space<vmem>> -> memref<1x128x128xf32, #tpu.memory_space<vmem>>
          %dma_start3A_197 = tpu.memref_squeeze %dma_start3A_196 : memref<1x128x128xf32, #tpu.memory_space<vmem>> -> memref<128x128xf32, #tpu.memory_space<vmem>>
          %dma_start3A_198 = arith.constant 0 : i32
          %dma_start3A_199 = tpu.memref_slice %arg7[%run_scoped3A_100, %dma_start3A_198] : memref<2x128xi32, #tpu.memory_space<vmem>> -> memref<1x128xi32, #tpu.memory_space<vmem>>
          %dma_start3A_200 = tpu.memref_squeeze %dma_start3A_199 : memref<1x128xi32, #tpu.memory_space<vmem>> -> memref<128xi32, #tpu.memory_space<vmem>>
          %dma_start3A_201 = arith.constant 0 : i32
          %dma_start3A_202 = arith.constant 0 : i32
          %dma_start3A_203 = tpu.memref_slice %arg9[%dma_start3A_201, %dma_start3A_202] : memref<10112x128xf32, #tpu.memory_space<vmem_shared>> -> memref<10112x128xf32, #tpu.memory_space<vmem_shared>>
          tpu.enqueue_indirect_dma source(%dma_start3A_197 : memref<128x128xf32, #tpu.memory_space<vmem>>) target(%dma_start3A_203 : memref<10112x128xf32, #tpu.memory_space<vmem_shared>>) offsets(%dma_start3A_200 : memref<128xi32, #tpu.memory_space<vmem>>) semaphore(%run_scoped3A_193 : memref<!tpu.dma_semaphore, #tpu.memory_space<semaphore_mem>>) {add = true}
          %dma_wait3A_204 = arith.constant 0 : i32
          %dma_wait3A_205 = arith.constant 0 : i32
          %dma_wait3A_206 = tpu.memref_slice %arg6[%run_scoped3A, %dma_wait3A_204, %dma_wait3A_205] : memref<2x128x128xf32, #tpu.memory_space<vmem>> -> memref<1x128x128xf32, #tpu.memory_space<vmem>>
          %dma_wait3A_207 = tpu.memref_squeeze %dma_wait3A_206 : memref<1x128x128xf32, #tpu.memory_space<vmem>> -> memref<128x128xf32, #tpu.memory_space<vmem>>
          %dma_wait3A_208 = arith.constant 0 : i32
          %dma_wait3A_209 = tpu.memref_slice %arg7[%run_scoped3A_100, %dma_wait3A_208] : memref<2x128xi32, #tpu.memory_space<vmem>> -> memref<1x128xi32, #tpu.memory_space<vmem>>
          %dma_wait3A_210 = tpu.memref_squeeze %dma_wait3A_209 : memref<1x128xi32, #tpu.memory_space<vmem>> -> memref<128xi32, #tpu.memory_space<vmem>>
          %dma_wait3A_211 = arith.constant 0 : i32
          %dma_wait3A_212 = arith.constant 0 : i32
          %dma_wait3A_213 = tpu.memref_slice %arg9[%dma_wait3A_211, %dma_wait3A_212] : memref<10112x128xf32, #tpu.memory_space<vmem_shared>> -> memref<10112x128xf32, #tpu.memory_space<vmem_shared>>
          tpu.wait_indirect_dma semaphore(%run_scoped3A_193 : memref<!tpu.dma_semaphore, #tpu.memory_space<semaphore_mem>>) src(%dma_wait3A_207 : memref<128x128xf32, #tpu.memory_space<vmem>>) dst(%dma_wait3A_213 : memref<10112x128xf32, #tpu.memory_space<vmem_shared>>)
          tpu.yield
        }) : () -> ()
        %get3A = arith.constant 1 : i32
        %get3A_101 = arith.index_cast %get3A : i32 to index
        %get3A_102 = arith.constant 0 : index
        %get3A_103 = tpu.vector_load %arg7[%get3A_101, %get3A_102] {strides = array<i32>} : memref<2x128xi32, #tpu.memory_space<vmem>>, vector<16xi32>,
        %shift_right_logical3A = arith.constant 7 : i32
        %shift_right_logical3A_104 = vector.broadcast %shift_right_logical3A : i32 to vector<16xi32>
        %shift_right_logical3A_105 = arith.shrui %get3A_103, %shift_right_logical3A_104 : vector<16xi32>
        %and3A = arith.constant 127 : i32
        %and3A_106 = vector.broadcast %and3A : i32 to vector<16xi32>
        %and3A_107 = arith.andi %get3A_103, %and3A_106 : vector<16xi32>
        %broadcast_in_dim3A = arith.constant 1.000000e+00 : f32
        %broadcast_in_dim3A_108 = vector.broadcast %broadcast_in_dim3A : f32 to vector<16xf32>
        tpu.vector_store_idx %arg8[%shift_right_logical3A_105, %and3A_107], %broadcast_in_dim3A_108 {add = true} : memref<80x128xf32, #tpu.memory_space<vmem>>[vector<16xi32>, vector<16xi32>], vector<16xf32>,
        %get3A_109 = arith.constant 1 : i32
        %get3A_110 = arith.index_cast %get3A_109 : i32 to index
        %get3A_111 = arith.constant 16 : index
        %get3A_112 = tpu.vector_load %arg7[%get3A_110, %get3A_111] {strides = array<i32>} : memref<2x128xi32, #tpu.memory_space<vmem>>, vector<16xi32>,
        %shift_right_logical3A_113 = arith.constant 7 : i32
        %shift_right_logical3A_114 = vector.broadcast %shift_right_logical3A_113 : i32 to vector<16xi32>
        %shift_right_logical3A_115 = arith.shrui %get3A_112, %shift_right_logical3A_114 : vector<16xi32>
        %and3A_116 = arith.constant 127 : i32
        %and3A_117 = vector.broadcast %and3A_116 : i32 to vector<16xi32>
        %and3A_118 = arith.andi %get3A_112, %and3A_117 : vector<16xi32>
        %broadcast_in_dim3A_119 = arith.constant 1.000000e+00 : f32
        %broadcast_in_dim3A_120 = vector.broadcast %broadcast_in_dim3A_119 : f32 to vector<16xf32>
        tpu.vector_store_idx %arg8[%shift_right_logical3A_115, %and3A_118], %broadcast_in_dim3A_120 {add = true} : memref<80x128xf32, #tpu.memory_space<vmem>>[vector<16xi32>, vector<16xi32>], vector<16xf32>,
        %get3A_121 = arith.constant 1 : i32
        %get3A_122 = arith.index_cast %get3A_121 : i32 to index
        %get3A_123 = arith.constant 32 : index
        %get3A_124 = tpu.vector_load %arg7[%get3A_122, %get3A_123] {strides = array<i32>} : memref<2x128xi32, #tpu.memory_space<vmem>>, vector<16xi32>,
        %shift_right_logical3A_125 = arith.constant 7 : i32
        %shift_right_logical3A_126 = vector.broadcast %shift_right_logical3A_125 : i32 to vector<16xi32>
        %shift_right_logical3A_127 = arith.shrui %get3A_124, %shift_right_logical3A_126 : vector<16xi32>
        %and3A_128 = arith.constant 127 : i32
        %and3A_129 = vector.broadcast %and3A_128 : i32 to vector<16xi32>
        %and3A_130 = arith.andi %get3A_124, %and3A_129 : vector<16xi32>
        %broadcast_in_dim3A_131 = arith.constant 1.000000e+00 : f32
        %broadcast_in_dim3A_132 = vector.broadcast %broadcast_in_dim3A_131 : f32 to vector<16xf32>
        tpu.vector_store_idx %arg8[%shift_right_logical3A_127, %and3A_130], %broadcast_in_dim3A_132 {add = true} : memref<80x128xf32, #tpu.memory_space<vmem>>[vector<16xi32>, vector<16xi32>], vector<16xf32>,
        %get3A_133 = arith.constant 1 : i32
        %get3A_134 = arith.index_cast %get3A_133 : i32 to index
        %get3A_135 = arith.constant 48 : index
        %get3A_136 = tpu.vector_load %arg7[%get3A_134, %get3A_135] {strides = array<i32>} : memref<2x128xi32, #tpu.memory_space<vmem>>, vector<16xi32>,
        %shift_right_logical3A_137 = arith.constant 7 : i32
        %shift_right_logical3A_138 = vector.broadcast %shift_right_logical3A_137 : i32 to vector<16xi32>
        %shift_right_logical3A_139 = arith.shrui %get3A_136, %shift_right_logical3A_138 : vector<16xi32>
        %and3A_140 = arith.constant 127 : i32
        %and3A_141 = vector.broadcast %and3A_140 : i32 to vector<16xi32>
        %and3A_142 = arith.andi %get3A_136, %and3A_141 : vector<16xi32>
        %broadcast_in_dim3A_143 = arith.constant 1.000000e+00 : f32
        %broadcast_in_dim3A_144 = vector.broadcast %broadcast_in_dim3A_143 : f32 to vector<16xf32>
        tpu.vector_store_idx %arg8[%shift_right_logical3A_139, %and3A_142], %broadcast_in_dim3A_144 {add = true} : memref<80x128xf32, #tpu.memory_space<vmem>>[vector<16xi32>, vector<16xi32>], vector<16xf32>,
        %get3A_145 = arith.constant 1 : i32
        %get3A_146 = arith.index_cast %get3A_145 : i32 to index
        %get3A_147 = arith.constant 64 : index
        %get3A_148 = tpu.vector_load %arg7[%get3A_146, %get3A_147] {strides = array<i32>} : memref<2x128xi32, #tpu.memory_space<vmem>>, vector<16xi32>,
        %shift_right_logical3A_149 = arith.constant 7 : i32
        %shift_right_logical3A_150 = vector.broadcast %shift_right_logical3A_149 : i32 to vector<16xi32>
        %shift_right_logical3A_151 = arith.shrui %get3A_148, %shift_right_logical3A_150 : vector<16xi32>
        %and3A_152 = arith.constant 127 : i32
        %and3A_153 = vector.broadcast %and3A_152 : i32 to vector<16xi32>
        %and3A_154 = arith.andi %get3A_148, %and3A_153 : vector<16xi32>
        %broadcast_in_dim3A_155 = arith.constant 1.000000e+00 : f32
        %broadcast_in_dim3A_156 = vector.broadcast %broadcast_in_dim3A_155 : f32 to vector<16xf32>
        tpu.vector_store_idx %arg8[%shift_right_logical3A_151, %and3A_154], %broadcast_in_dim3A_156 {add = true} : memref<80x128xf32, #tpu.memory_space<vmem>>[vector<16xi32>, vector<16xi32>], vector<16xf32>,
        %get3A_157 = arith.constant 1 : i32
        %get3A_158 = arith.index_cast %get3A_157 : i32 to index
        %get3A_159 = arith.constant 80 : index
        %get3A_160 = tpu.vector_load %arg7[%get3A_158, %get3A_159] {strides = array<i32>} : memref<2x128xi32, #tpu.memory_space<vmem>>, vector<16xi32>,
        %shift_right_logical3A_161 = arith.constant 7 : i32
        %shift_right_logical3A_162 = vector.broadcast %shift_right_logical3A_161 : i32 to vector<16xi32>
        %shift_right_logical3A_163 = arith.shrui %get3A_160, %shift_right_logical3A_162 : vector<16xi32>
        %and3A_164 = arith.constant 127 : i32
        %and3A_165 = vector.broadcast %and3A_164 : i32 to vector<16xi32>
        %and3A_166 = arith.andi %get3A_160, %and3A_165 : vector<16xi32>
        %broadcast_in_dim3A_167 = arith.constant 1.000000e+00 : f32
        %broadcast_in_dim3A_168 = vector.broadcast %broadcast_in_dim3A_167 : f32 to vector<16xf32>
        tpu.vector_store_idx %arg8[%shift_right_logical3A_163, %and3A_166], %broadcast_in_dim3A_168 {add = true} : memref<80x128xf32, #tpu.memory_space<vmem>>[vector<16xi32>, vector<16xi32>], vector<16xf32>,
        %get3A_169 = arith.constant 1 : i32
        %get3A_170 = arith.index_cast %get3A_169 : i32 to index
        %get3A_171 = arith.constant 96 : index
        %get3A_172 = tpu.vector_load %arg7[%get3A_170, %get3A_171] {strides = array<i32>} : memref<2x128xi32, #tpu.memory_space<vmem>>, vector<16xi32>,
        %shift_right_logical3A_173 = arith.constant 7 : i32
        %shift_right_logical3A_174 = vector.broadcast %shift_right_logical3A_173 : i32 to vector<16xi32>
        %shift_right_logical3A_175 = arith.shrui %get3A_172, %shift_right_logical3A_174 : vector<16xi32>
        %and3A_176 = arith.constant 127 : i32
        %and3A_177 = vector.broadcast %and3A_176 : i32 to vector<16xi32>
        %and3A_178 = arith.andi %get3A_172, %and3A_177 : vector<16xi32>
        %broadcast_in_dim3A_179 = arith.constant 1.000000e+00 : f32
        %broadcast_in_dim3A_180 = vector.broadcast %broadcast_in_dim3A_179 : f32 to vector<16xf32>
        tpu.vector_store_idx %arg8[%shift_right_logical3A_175, %and3A_178], %broadcast_in_dim3A_180 {add = true} : memref<80x128xf32, #tpu.memory_space<vmem>>[vector<16xi32>, vector<16xi32>], vector<16xf32>,
        %get3A_181 = arith.constant 1 : i32
        %get3A_182 = arith.index_cast %get3A_181 : i32 to index
        %get3A_183 = arith.constant 112 : index
        %get3A_184 = tpu.vector_load %arg7[%get3A_182, %get3A_183] {strides = array<i32>} : memref<2x128xi32, #tpu.memory_space<vmem>>, vector<16xi32>,
        %shift_right_logical3A_185 = arith.constant 7 : i32
        %shift_right_logical3A_186 = vector.broadcast %shift_right_logical3A_185 : i32 to vector<16xi32>
        %shift_right_logical3A_187 = arith.shrui %get3A_184, %shift_right_logical3A_186 : vector<16xi32>
        %and3A_188 = arith.constant 127 : i32
        %and3A_189 = vector.broadcast %and3A_188 : i32 to vector<16xi32>
        %and3A_190 = arith.andi %get3A_184, %and3A_189 : vector<16xi32>
        %broadcast_in_dim3A_191 = arith.constant 1.000000e+00 : f32
        %broadcast_in_dim3A_192 = vector.broadcast %broadcast_in_dim3A_191 : f32 to vector<16xf32>
        tpu.vector_store_idx %arg8[%shift_right_logical3A_187, %and3A_190], %broadcast_in_dim3A_192 {add = true} : memref<80x128xf32, #tpu.memory_space<vmem>>[vector<16xi32>, vector<16xi32>], vector<16xf32>,
      } else {
      }
    }
    %scan3A_46 = arith.constant 79 : i32
    "tpu.region"() ({
      %run_scoped3A = tpu.sem_alloc : memref<!tpu.dma_semaphore, #tpu.memory_space<semaphore_mem>>
      %dma_start3A_53 = arith.constant 0 : i32
      %dma_start3A_54 = arith.constant 0 : i32
      %dma_start3A_55 = tpu.memref_slice %arg5[%add3A, %dma_start3A_53, %dma_start3A_54] : memref<32x80x128xf32, #tpu.memory_space<hbm>> -> memref<1x80x128xf32, #tpu.memory_space<hbm>>
      %dma_start3A_56 = tpu.memref_squeeze %dma_start3A_55 : memref<1x80x128xf32, #tpu.memory_space<hbm>> -> memref<80x128xf32, #tpu.memory_space<hbm>>
      %dma_start3A_57 = arith.constant 0 : i32
      %dma_start3A_58 = arith.constant 0 : i32
      %dma_start3A_59 = tpu.memref_slice %arg5[%add3A, %dma_start3A_57, %dma_start3A_58] : memref<32x80x128xf32, #tpu.memory_space<hbm>> -> memref<1x80x128xf32, #tpu.memory_space<hbm>>
      %dma_start3A_60 = tpu.memref_squeeze %dma_start3A_59 : memref<1x80x128xf32, #tpu.memory_space<hbm>> -> memref<80x128xf32, #tpu.memory_space<hbm>>
      tpu.enqueue_dma source(%arg8 : memref<80x128xf32, #tpu.memory_space<vmem>>) target(%dma_start3A_60 : memref<80x128xf32, #tpu.memory_space<hbm>>) target_semaphore(%run_scoped3A : memref<!tpu.dma_semaphore, #tpu.memory_space<semaphore_mem>>)
      %dma_wait3A = arith.constant 0 : i32
      %dma_wait3A_61 = arith.constant 0 : i32
      %dma_wait3A_62 = tpu.memref_slice %arg5[%add3A, %dma_wait3A, %dma_wait3A_61] : memref<32x80x128xf32, #tpu.memory_space<hbm>> -> memref<1x80x128xf32, #tpu.memory_space<hbm>>
      %dma_wait3A_63 = tpu.memref_squeeze %dma_wait3A_62 : memref<1x80x128xf32, #tpu.memory_space<hbm>> -> memref<80x128xf32, #tpu.memory_space<hbm>>
      %dma_wait3A_64 = arith.constant 0 : i32
      %dma_wait3A_65 = arith.constant 0 : i32
      %dma_wait3A_66 = tpu.memref_slice %arg5[%add3A, %dma_wait3A_64, %dma_wait3A_65] : memref<32x80x128xf32, #tpu.memory_space<hbm>> -> memref<1x80x128xf32, #tpu.memory_space<hbm>>
      %dma_wait3A_67 = tpu.memref_squeeze %dma_wait3A_66 : memref<1x80x128xf32, #tpu.memory_space<hbm>> -> memref<80x128xf32, #tpu.memory_space<hbm>>
      tpu.wait_dma2 semaphore(%run_scoped3A : memref<!tpu.dma_semaphore, #tpu.memory_space<semaphore_mem>>) src(%arg8 : memref<80x128xf32, #tpu.memory_space<vmem>>) dst(%dma_wait3A_67 : memref<80x128xf32, #tpu.memory_space<hbm>>)
      tpu.yield
    }) : () -> ()
    %barrier3A_47 = arith.constant 0 : index
    tpu.barrier barrier_id(%barrier3A_47)
    %scan3A_48 = arith.constant 0 : i32
    %scan3A_49 = arith.constant 5 : i32
    %scan3A_50 = arith.addi %scan3A_48, %scan3A_49 : i32
    %scan3A_51 = arith.constant 1 : i32
    scf.for %scan3A_53 = %scan3A_48 to %scan3A_50 step %scan3A_51  : i32 {
      %mul3A_54 = arith.constant 1 : i32
      %mul3A_55 = arith.muli %scan3A_53, %mul3A_54 : i32
      %add3A_56 = arith.constant 0 : i32
      %add3A_57 = arith.addi %add3A_56, %mul3A_55 : i32
      %mul3A_58 = arith.constant 16 : i32
      %mul3A_59 = arith.muli %add3A_57, %mul3A_58 : i32
      %add3A_60 = arith.addi %arg1, %mul3A_59 : i32
      %lt3A = arith.constant 79 : i32
      %lt3A_61 = arith.cmpi slt, %add3A_60, %lt3A : i32
      %convert_element_type3A = arith.extui %lt3A_61 : i1 to i32
      %cond3A = arith.constant 0 : i32
      %cond3A_62 = arith.cmpi ne, %convert_element_type3A, %cond3A : i32
      scf.if %cond3A_62 {
        %mul3A_63 = arith.constant 128 : i32
        %mul3A_64 = arith.muli %add3A_60, %mul3A_63 : i32
        %mul3A_65 = arith.constant 128 : i32
        %mul3A_66 = arith.muli %add3A_60, %mul3A_65 : i32
        "tpu.region"() ({
          %run_scoped3A = tpu.sem_alloc : memref<!tpu.dma_semaphore, #tpu.memory_space<semaphore_mem>>
          %dma_start3A_67 = arith.constant 0 : i32
          %dma_start3A_68 = arith.constant 0 : i32
          %dma_start3A_69 = tpu.memref_slice %arg4[%arg0, %dma_start3A_67, %dma_start3A_68] : memref<2x10112x128xf32, #tpu.memory_space<hbm>> -> memref<1x10112x128xf32, #tpu.memory_space<hbm>>
          %dma_start3A_70 = tpu.memref_squeeze %dma_start3A_69 : memref<1x10112x128xf32, #tpu.memory_space<hbm>> -> memref<10112x128xf32, #tpu.memory_space<hbm>>
          %dma_start3A_71 = arith.constant 0 : i32
          %dma_start3A_72 = tpu.memref_slice %dma_start3A_70[%mul3A_66, %dma_start3A_71] : memref<10112x128xf32, #tpu.memory_space<hbm>> -> memref<128x128xf32, #tpu.memory_space<hbm>>
          %dma_start3A_73 = arith.constant 0 : i32
          %dma_start3A_74 = tpu.memref_slice %arg9[%mul3A_64, %dma_start3A_73] : memref<10112x128xf32, #tpu.memory_space<vmem_shared>> -> memref<128x128xf32, #tpu.memory_space<vmem_shared>>
          tpu.enqueue_dma source(%dma_start3A_74 : memref<128x128xf32, #tpu.memory_space<vmem_shared>>) target(%dma_start3A_72 : memref<128x128xf32, #tpu.memory_space<hbm>>) target_semaphore(%run_scoped3A : memref<!tpu.dma_semaphore, #tpu.memory_space<semaphore_mem>>)
          %dma_wait3A = arith.constant 0 : i32
          %dma_wait3A_75 = arith.constant 0 : i32
          %dma_wait3A_76 = tpu.memref_slice %arg4[%arg0, %dma_wait3A, %dma_wait3A_75] : memref<2x10112x128xf32, #tpu.memory_space<hbm>> -> memref<1x10112x128xf32, #tpu.memory_space<hbm>>
          %dma_wait3A_77 = tpu.memref_squeeze %dma_wait3A_76 : memref<1x10112x128xf32, #tpu.memory_space<hbm>> -> memref<10112x128xf32, #tpu.memory_space<hbm>>
          %dma_wait3A_78 = arith.constant 0 : i32
          %dma_wait3A_79 = tpu.memref_slice %dma_wait3A_77[%mul3A_66, %dma_wait3A_78] : memref<10112x128xf32, #tpu.memory_space<hbm>> -> memref<128x128xf32, #tpu.memory_space<hbm>>
          %dma_wait3A_80 = arith.constant 0 : i32
          %dma_wait3A_81 = tpu.memref_slice %arg9[%mul3A_64, %dma_wait3A_80] : memref<10112x128xf32, #tpu.memory_space<vmem_shared>> -> memref<128x128xf32, #tpu.memory_space<vmem_shared>>
          tpu.wait_dma2 semaphore(%run_scoped3A : memref<!tpu.dma_semaphore, #tpu.memory_space<semaphore_mem>>) src(%dma_wait3A_81 : memref<128x128xf32, #tpu.memory_space<vmem_shared>>) dst(%dma_wait3A_79 : memref<128x128xf32, #tpu.memory_space<hbm>>)
          tpu.yield
        }) : () -> ()
      } else {
      }
    }
    %scan3A_52 = arith.constant 5 : i32
    return
  }
}

#map = affine_map<(d0, d1) -> (0, 0)>
#map1 = affine_map<(d0, d1) -> (0)>
module attributes {stable_mosaic.version = 14 : i64} {
  func.func @k2(%arg0: i32, %arg1: i32, %arg2: memref<10000x128xf32, #tpu.memory_space<hbm>>, %arg3: memref<323584xi32, #tpu.memory_space<hbm>>, %arg4: memref<323584xi32, #tpu.memory_space<hbm>>, %arg5: memref<323584x128xf32, #tpu.memory_space<hbm>>, %arg6: memref<323584x128xf32, #tpu.memory_space<hbm>>, %arg7: memref<2x128xi32, #tpu.memory_space<vmem>>, %arg8: memref<2x128xi32, #tpu.memory_space<vmem>>, %arg9: memref<2x128x128xf32, #tpu.memory_space<vmem>>, %arg10: memref<2x128x128xf32, #tpu.memory_space<vmem>>, %arg11: memref<!tpu.dma_semaphore, #tpu.memory_space<semaphore_mem>>, %arg12: memref<!tpu.dma_semaphore, #tpu.memory_space<semaphore_mem>>, %arg13: memref<!tpu.dma_semaphore, #tpu.memory_space<semaphore_mem>>, %arg14: memref<!tpu.dma_semaphore, #tpu.memory_space<semaphore_mem>>, %arg15: memref<!tpu.dma_semaphore, #tpu.memory_space<semaphore_mem>>, %arg16: memref<!tpu.dma_semaphore, #tpu.memory_space<semaphore_mem>>) attributes {dimension_semantics = [#tpu.dimension_semantics<core_parallel>, #tpu.dimension_semantics<subcore_parallel>], iteration_bounds = array<i64: 2, 16>, scalar_prefetch = 0 : i64, scratch_operands = 10 : i64, tpu.core_type = #tpu.core_type<sc_vector_subcore>, window_params = [{transform_indices = #map}, {transform_indices = #map1}, {transform_indices = #map1}, {transform_indices = #map}, {transform_indices = #map}]} {
    %mul3A = arith.constant 2 : i32
    %mul3A_0 = arith.muli %arg1, %mul3A : i32
    %add3A = arith.addi %mul3A_0, %arg0 : i32
    %mul3A_1 = arith.constant 79 : i32
    %mul3A_2 = arith.muli %add3A, %mul3A_1 : i32
    %mul3A_3 = arith.constant 128 : i32
    %mul3A_4 = arith.muli %mul3A_2, %mul3A_3 : i32
    %dma_start3A = arith.constant 0 : i32
    %dma_start3A_5 = arith.constant 0 : i32
    %dma_start3A_6 = tpu.memref_slice %arg7[%dma_start3A, %dma_start3A_5] : memref<2x128xi32, #tpu.memory_space<vmem>> -> memref<1x128xi32, #tpu.memory_space<vmem>>
    %dma_start3A_7 = tpu.memref_squeeze %dma_start3A_6 : memref<1x128xi32, #tpu.memory_space<vmem>> -> memref<128xi32, #tpu.memory_space<vmem>>
    %dma_start3A_8 = tpu.memref_slice %arg3[%mul3A_4] : memref<323584xi32, #tpu.memory_space<hbm>> -> memref<128xi32, #tpu.memory_space<hbm>>
    %dma_start3A_9 = arith.constant 0 : i32
    %dma_start3A_10 = tpu.memref_slice %arg7[%dma_start3A, %dma_start3A_9] : memref<2x128xi32, #tpu.memory_space<vmem>> -> memref<1x128xi32, #tpu.memory_space<vmem>>
    %dma_start3A_11 = tpu.memref_squeeze %dma_start3A_10 : memref<1x128xi32, #tpu.memory_space<vmem>> -> memref<128xi32, #tpu.memory_space<vmem>>
    %dma_start3A_12 = tpu.memref_slice %arg3[%mul3A_4] : memref<323584xi32, #tpu.memory_space<hbm>> -> memref<128xi32, #tpu.memory_space<hbm>>
    tpu.enqueue_dma source(%dma_start3A_12 : memref<128xi32, #tpu.memory_space<hbm>>) target(%dma_start3A_11 : memref<128xi32, #tpu.memory_space<vmem>>) target_semaphore(%arg11 : memref<!tpu.dma_semaphore, #tpu.memory_space<semaphore_mem>>)
    %mul3A_13 = arith.constant 128 : i32
    %mul3A_14 = arith.muli %mul3A_2, %mul3A_13 : i32
    %dma_start3A_15 = arith.constant 0 : i32
    %dma_start3A_16 = arith.constant 0 : i32
    %dma_start3A_17 = tpu.memref_slice %arg8[%dma_start3A_15, %dma_start3A_16] : memref<2x128xi32, #tpu.memory_space<vmem>> -> memref<1x128xi32, #tpu.memory_space<vmem>>
    %dma_start3A_18 = tpu.memref_squeeze %dma_start3A_17 : memref<1x128xi32, #tpu.memory_space<vmem>> -> memref<128xi32, #tpu.memory_space<vmem>>
    %dma_start3A_19 = tpu.memref_slice %arg4[%mul3A_14] : memref<323584xi32, #tpu.memory_space<hbm>> -> memref<128xi32, #tpu.memory_space<hbm>>
    %dma_start3A_20 = arith.constant 0 : i32
    %dma_start3A_21 = tpu.memref_slice %arg8[%dma_start3A_15, %dma_start3A_20] : memref<2x128xi32, #tpu.memory_space<vmem>> -> memref<1x128xi32, #tpu.memory_space<vmem>>
    %dma_start3A_22 = tpu.memref_squeeze %dma_start3A_21 : memref<1x128xi32, #tpu.memory_space<vmem>> -> memref<128xi32, #tpu.memory_space<vmem>>
    %dma_start3A_23 = tpu.memref_slice %arg4[%mul3A_14] : memref<323584xi32, #tpu.memory_space<hbm>> -> memref<128xi32, #tpu.memory_space<hbm>>
    tpu.enqueue_dma source(%dma_start3A_23 : memref<128xi32, #tpu.memory_space<hbm>>) target(%dma_start3A_22 : memref<128xi32, #tpu.memory_space<vmem>>) target_semaphore(%arg11 : memref<!tpu.dma_semaphore, #tpu.memory_space<semaphore_mem>>)
    %scan3A = arith.constant 0 : i32
    %scan3A_24 = arith.constant 79 : i32
    %scan3A_25 = arith.addi %scan3A, %scan3A_24 : i32
    %scan3A_26 = arith.constant 1 : i32
    scf.for %scan3A_152 = %scan3A to %scan3A_25 step %scan3A_26  : i32 {
      %mul3A_153 = arith.constant 1 : i32
      %mul3A_154 = arith.muli %scan3A_152, %mul3A_153 : i32
      %add3A_155 = arith.constant 0 : i32
      %add3A_156 = arith.addi %add3A_155, %mul3A_154 : i32
      %add3A_157 = arith.addi %mul3A_2, %add3A_156 : i32
      %rem3A = arith.constant 2 : i32
      %rem3A_158 = arith.remsi %add3A_156, %rem3A : i32
      %eq3A = arith.constant 0 : i32
      %eq3A_159 = arith.cmpi eq, %rem3A_158, %eq3A : i32
      %convert_element_type3A = arith.extui %eq3A_159 : i1 to i32
      %cond3A = arith.constant 0 : i32
      %cond3A_160 = arith.cmpi ne, %convert_element_type3A, %cond3A : i32
      scf.if %cond3A_160 {
        %ge3A = arith.constant 2 : i32
        %ge3A_168 = arith.cmpi sge, %add3A_156, %ge3A : i32
        %convert_element_type3A_169 = arith.extui %ge3A_168 : i1 to i32
        %cond3A_170 = arith.constant 0 : i32
        %cond3A_171 = arith.cmpi ne, %convert_element_type3A_169, %cond3A_170 : i32
        scf.if %cond3A_171 {
          %sub3A_229 = arith.constant 2 : i32
          %sub3A_230 = arith.subi %add3A_157, %sub3A_229 : i32
          %mul3A_231 = arith.constant 128 : i32
          %mul3A_232 = arith.muli %sub3A_230, %mul3A_231 : i32
          %dma_wait3A_233 = arith.constant 0 : i32
          %dma_wait3A_234 = arith.constant 0 : i32
          %dma_wait3A_235 = arith.constant 0 : i32
          %dma_wait3A_236 = tpu.memref_slice %arg9[%dma_wait3A_233, %dma_wait3A_234, %dma_wait3A_235] : memref<2x128x128xf32, #tpu.memory_space<vmem>> -> memref<1x128x128xf32, #tpu.memory_space<vmem>>
          %dma_wait3A_237 = tpu.memref_squeeze %dma_wait3A_236 : memref<1x128x128xf32, #tpu.memory_space<vmem>> -> memref<128x128xf32, #tpu.memory_space<vmem>>
          %dma_wait3A_238 = arith.constant 0 : i32
          %dma_wait3A_239 = tpu.memref_slice %arg5[%mul3A_232, %dma_wait3A_238] : memref<323584x128xf32, #tpu.memory_space<hbm>> -> memref<128x128xf32, #tpu.memory_space<hbm>>
          %dma_wait3A_240 = arith.constant 0 : i32
          %dma_wait3A_241 = tpu.memref_slice %arg5[%mul3A_232, %dma_wait3A_240] : memref<323584x128xf32, #tpu.memory_space<hbm>> -> memref<128x128xf32, #tpu.memory_space<hbm>>
          %dma_wait3A_242 = arith.constant 0 : i32
          %dma_wait3A_243 = arith.constant 0 : i32
          %dma_wait3A_244 = tpu.memref_slice %arg9[%dma_wait3A_233, %dma_wait3A_242, %dma_wait3A_243] : memref<2x128x128xf32, #tpu.memory_space<vmem>> -> memref<1x128x128xf32, #tpu.memory_space<vmem>>
          %dma_wait3A_245 = tpu.memref_squeeze %dma_wait3A_244 : memref<1x128x128xf32, #tpu.memory_space<vmem>> -> memref<128x128xf32, #tpu.memory_space<vmem>>
          tpu.wait_dma2 semaphore(%arg15 : memref<!tpu.dma_semaphore, #tpu.memory_space<semaphore_mem>>) src(%dma_wait3A_245 : memref<128x128xf32, #tpu.memory_space<vmem>>) dst(%dma_wait3A_241 : memref<128x128xf32, #tpu.memory_space<hbm>>)
          %mul3A_246 = arith.constant 128 : i32
          %mul3A_247 = arith.muli %sub3A_230, %mul3A_246 : i32
          %dma_wait3A_248 = arith.constant 0 : i32
          %dma_wait3A_249 = arith.constant 0 : i32
          %dma_wait3A_250 = arith.constant 0 : i32
          %dma_wait3A_251 = tpu.memref_slice %arg10[%dma_wait3A_248, %dma_wait3A_249, %dma_wait3A_250] : memref<2x128x128xf32, #tpu.memory_space<vmem>> -> memref<1x128x128xf32, #tpu.memory_space<vmem>>
          %dma_wait3A_252 = tpu.memref_squeeze %dma_wait3A_251 : memref<1x128x128xf32, #tpu.memory_space<vmem>> -> memref<128x128xf32, #tpu.memory_space<vmem>>
          %dma_wait3A_253 = arith.constant 0 : i32
          %dma_wait3A_254 = tpu.memref_slice %arg6[%mul3A_247, %dma_wait3A_253] : memref<323584x128xf32, #tpu.memory_space<hbm>> -> memref<128x128xf32, #tpu.memory_space<hbm>>
          %dma_wait3A_255 = arith.constant 0 : i32
          %dma_wait3A_256 = tpu.memref_slice %arg6[%mul3A_247, %dma_wait3A_255] : memref<323584x128xf32, #tpu.memory_space<hbm>> -> memref<128x128xf32, #tpu.memory_space<hbm>>
          %dma_wait3A_257 = arith.constant 0 : i32
          %dma_wait3A_258 = arith.constant 0 : i32
          %dma_wait3A_259 = tpu.memref_slice %arg10[%dma_wait3A_248, %dma_wait3A_257, %dma_wait3A_258] : memref<2x128x128xf32, #tpu.memory_space<vmem>> -> memref<1x128x128xf32, #tpu.memory_space<vmem>>
          %dma_wait3A_260 = tpu.memref_squeeze %dma_wait3A_259 : memref<1x128x128xf32, #tpu.memory_space<vmem>> -> memref<128x128xf32, #tpu.memory_space<vmem>>
          tpu.wait_dma2 semaphore(%arg15 : memref<!tpu.dma_semaphore, #tpu.memory_space<semaphore_mem>>) src(%dma_wait3A_260 : memref<128x128xf32, #tpu.memory_space<vmem>>) dst(%dma_wait3A_256 : memref<128x128xf32, #tpu.memory_space<hbm>>)
        } else {
        }
        %mul3A_172 = arith.constant 128 : i32
        %mul3A_173 = arith.muli %add3A_157, %mul3A_172 : i32
        %dma_wait3A_174 = arith.constant 0 : i32
        %dma_wait3A_175 = arith.constant 0 : i32
        %dma_wait3A_176 = tpu.memref_slice %arg7[%dma_wait3A_174, %dma_wait3A_175] : memref<2x128xi32, #tpu.memory_space<vmem>> -> memref<1x128xi32, #tpu.memory_space<vmem>>
        %dma_wait3A_177 = tpu.memref_squeeze %dma_wait3A_176 : memref<1x128xi32, #tpu.memory_space<vmem>> -> memref<128xi32, #tpu.memory_space<vmem>>
        %dma_wait3A_178 = tpu.memref_slice %arg3[%mul3A_173] : memref<323584xi32, #tpu.memory_space<hbm>> -> memref<128xi32, #tpu.memory_space<hbm>>
        %dma_wait3A_179 = arith.constant 0 : i32
        %dma_wait3A_180 = tpu.memref_slice %arg7[%dma_wait3A_174, %dma_wait3A_179] : memref<2x128xi32, #tpu.memory_space<vmem>> -> memref<1x128xi32, #tpu.memory_space<vmem>>
        %dma_wait3A_181 = tpu.memref_squeeze %dma_wait3A_180 : memref<1x128xi32, #tpu.memory_space<vmem>> -> memref<128xi32, #tpu.memory_space<vmem>>
        %dma_wait3A_182 = tpu.memref_slice %arg3[%mul3A_173] : memref<323584xi32, #tpu.memory_space<hbm>> -> memref<128xi32, #tpu.memory_space<hbm>>
        tpu.wait_dma2 semaphore(%arg11 : memref<!tpu.dma_semaphore, #tpu.memory_space<semaphore_mem>>) src(%dma_wait3A_182 : memref<128xi32, #tpu.memory_space<hbm>>) dst(%dma_wait3A_181 : memref<128xi32, #tpu.memory_space<vmem>>)
        %mul3A_183 = arith.constant 128 : i32
        %mul3A_184 = arith.muli %add3A_157, %mul3A_183 : i32
        %dma_wait3A_185 = arith.constant 0 : i32
        %dma_wait3A_186 = arith.constant 0 : i32
        %dma_wait3A_187 = tpu.memref_slice %arg8[%dma_wait3A_185, %dma_wait3A_186] : memref<2x128xi32, #tpu.memory_space<vmem>> -> memref<1x128xi32, #tpu.memory_space<vmem>>
        %dma_wait3A_188 = tpu.memref_squeeze %dma_wait3A_187 : memref<1x128xi32, #tpu.memory_space<vmem>> -> memref<128xi32, #tpu.memory_space<vmem>>
        %dma_wait3A_189 = tpu.memref_slice %arg4[%mul3A_184] : memref<323584xi32, #tpu.memory_space<hbm>> -> memref<128xi32, #tpu.memory_space<hbm>>
        %dma_wait3A_190 = arith.constant 0 : i32
        %dma_wait3A_191 = tpu.memref_slice %arg8[%dma_wait3A_185, %dma_wait3A_190] : memref<2x128xi32, #tpu.memory_space<vmem>> -> memref<1x128xi32, #tpu.memory_space<vmem>>
        %dma_wait3A_192 = tpu.memref_squeeze %dma_wait3A_191 : memref<1x128xi32, #tpu.memory_space<vmem>> -> memref<128xi32, #tpu.memory_space<vmem>>
        %dma_wait3A_193 = tpu.memref_slice %arg4[%mul3A_184] : memref<323584xi32, #tpu.memory_space<hbm>> -> memref<128xi32, #tpu.memory_space<hbm>>
        tpu.wait_dma2 semaphore(%arg11 : memref<!tpu.dma_semaphore, #tpu.memory_space<semaphore_mem>>) src(%dma_wait3A_193 : memref<128xi32, #tpu.memory_space<hbm>>) dst(%dma_wait3A_192 : memref<128xi32, #tpu.memory_space<vmem>>)
        %dma_start3A_194 = arith.constant 0 : i32
        %dma_start3A_195 = arith.constant 0 : i32
        %dma_start3A_196 = arith.constant 0 : i32
        %dma_start3A_197 = arith.constant 0 : i32
        %dma_start3A_198 = tpu.memref_slice %arg9[%dma_start3A_195, %dma_start3A_196, %dma_start3A_197] : memref<2x128x128xf32, #tpu.memory_space<vmem>> -> memref<1x128x128xf32, #tpu.memory_space<vmem>>
        %dma_start3A_199 = tpu.memref_squeeze %dma_start3A_198 : memref<1x128x128xf32, #tpu.memory_space<vmem>> -> memref<128x128xf32, #tpu.memory_space<vmem>>
        %dma_start3A_200 = arith.constant 0 : i32
        %dma_start3A_201 = tpu.memref_slice %arg7[%dma_start3A_194, %dma_start3A_200] : memref<2x128xi32, #tpu.memory_space<vmem>> -> memref<1x128xi32, #tpu.memory_space<vmem>>
        %dma_start3A_202 = tpu.memref_squeeze %dma_start3A_201 : memref<1x128xi32, #tpu.memory_space<vmem>> -> memref<128xi32, #tpu.memory_space<vmem>>
        %dma_start3A_203 = arith.constant 0 : i32
        %dma_start3A_204 = arith.constant 0 : i32
        %dma_start3A_205 = tpu.memref_slice %arg2[%dma_start3A_203, %dma_start3A_204] : memref<10000x128xf32, #tpu.memory_space<hbm>> -> memref<10000x128xf32, #tpu.memory_space<hbm>>
        tpu.enqueue_indirect_dma source(%dma_start3A_205 : memref<10000x128xf32, #tpu.memory_space<hbm>>) target(%dma_start3A_199 : memref<128x128xf32, #tpu.memory_space<vmem>>) offsets(%dma_start3A_202 : memref<128xi32, #tpu.memory_space<vmem>>) semaphore(%arg13 : memref<!tpu.dma_semaphore, #tpu.memory_space<semaphore_mem>>)
        %dma_start3A_206 = arith.constant 0 : i32
        %dma_start3A_207 = arith.constant 0 : i32
        %dma_start3A_208 = arith.constant 0 : i32
        %dma_start3A_209 = arith.constant 0 : i32
        %dma_start3A_210 = tpu.memref_slice %arg10[%dma_start3A_207, %dma_start3A_208, %dma_start3A_209] : memref<2x128x128xf32, #tpu.memory_space<vmem>> -> memref<1x128x128xf32, #tpu.memory_space<vmem>>
        %dma_start3A_211 = tpu.memref_squeeze %dma_start3A_210 : memref<1x128x128xf32, #tpu.memory_space<vmem>> -> memref<128x128xf32, #tpu.memory_space<vmem>>
        %dma_start3A_212 = arith.constant 0 : i32
        %dma_start3A_213 = tpu.memref_slice %arg8[%dma_start3A_206, %dma_start3A_212] : memref<2x128xi32, #tpu.memory_space<vmem>> -> memref<1x128xi32, #tpu.memory_space<vmem>>
        %dma_start3A_214 = tpu.memref_squeeze %dma_start3A_213 : memref<1x128xi32, #tpu.memory_space<vmem>> -> memref<128xi32, #tpu.memory_space<vmem>>
        %dma_start3A_215 = arith.constant 0 : i32
        %dma_start3A_216 = arith.constant 0 : i32
        %dma_start3A_217 = tpu.memref_slice %arg2[%dma_start3A_215, %dma_start3A_216] : memref<10000x128xf32, #tpu.memory_space<hbm>> -> memref<10000x128xf32, #tpu.memory_space<hbm>>
        tpu.enqueue_indirect_dma source(%dma_start3A_217 : memref<10000x128xf32, #tpu.memory_space<hbm>>) target(%dma_start3A_211 : memref<128x128xf32, #tpu.memory_space<vmem>>) offsets(%dma_start3A_214 : memref<128xi32, #tpu.memory_space<vmem>>) semaphore(%arg13 : memref<!tpu.dma_semaphore, #tpu.memory_space<semaphore_mem>>)
        %ge3A_218 = arith.constant 1 : i32
        %ge3A_219 = arith.cmpi sge, %add3A_156, %ge3A_218 : i32
        %convert_element_type3A_220 = arith.extui %ge3A_219 : i1 to i32
        %cond3A_221 = arith.constant 0 : i32
        %cond3A_222 = arith.cmpi ne, %convert_element_type3A_220, %cond3A_221 : i32
        scf.if %cond3A_222 {
          %dma_wait3A_229 = arith.constant 1 : i32
          %dma_wait3A_230 = arith.constant 1 : i32
          %dma_wait3A_231 = arith.constant 0 : i32
          %dma_wait3A_232 = arith.constant 0 : i32
          %dma_wait3A_233 = tpu.memref_slice %arg9[%dma_wait3A_230, %dma_wait3A_231, %dma_wait3A_232] : memref<2x128x128xf32, #tpu.memory_space<vmem>> -> memref<1x128x128xf32, #tpu.memory_space<vmem>>
          %dma_wait3A_234 = tpu.memref_squeeze %dma_wait3A_233 : memref<1x128x128xf32, #tpu.memory_space<vmem>> -> memref<128x128xf32, #tpu.memory_space<vmem>>
          %dma_wait3A_235 = arith.constant 0 : i32
          %dma_wait3A_236 = tpu.memref_slice %arg7[%dma_wait3A_229, %dma_wait3A_235] : memref<2x128xi32, #tpu.memory_space<vmem>> -> memref<1x128xi32, #tpu.memory_space<vmem>>
          %dma_wait3A_237 = tpu.memref_squeeze %dma_wait3A_236 : memref<1x128xi32, #tpu.memory_space<vmem>> -> memref<128xi32, #tpu.memory_space<vmem>>
          %dma_wait3A_238 = arith.constant 0 : i32
          %dma_wait3A_239 = arith.constant 0 : i32
          %dma_wait3A_240 = tpu.memref_slice %arg2[%dma_wait3A_238, %dma_wait3A_239] : memref<10000x128xf32, #tpu.memory_space<hbm>> -> memref<10000x128xf32, #tpu.memory_space<hbm>>
          tpu.wait_indirect_dma semaphore(%arg14 : memref<!tpu.dma_semaphore, #tpu.memory_space<semaphore_mem>>) src(%dma_wait3A_240 : memref<10000x128xf32, #tpu.memory_space<hbm>>) dst(%dma_wait3A_234 : memref<128x128xf32, #tpu.memory_space<vmem>>)
          %dma_wait3A_241 = arith.constant 1 : i32
          %dma_wait3A_242 = arith.constant 1 : i32
          %dma_wait3A_243 = arith.constant 0 : i32
          %dma_wait3A_244 = arith.constant 0 : i32
          %dma_wait3A_245 = tpu.memref_slice %arg10[%dma_wait3A_242, %dma_wait3A_243, %dma_wait3A_244] : memref<2x128x128xf32, #tpu.memory_space<vmem>> -> memref<1x128x128xf32, #tpu.memory_space<vmem>>
          %dma_wait3A_246 = tpu.memref_squeeze %dma_wait3A_245 : memref<1x128x128xf32, #tpu.memory_space<vmem>> -> memref<128x128xf32, #tpu.memory_space<vmem>>
          %dma_wait3A_247 = arith.constant 0 : i32
          %dma_wait3A_248 = tpu.memref_slice %arg8[%dma_wait3A_241, %dma_wait3A_247] : memref<2x128xi32, #tpu.memory_space<vmem>> -> memref<1x128xi32, #tpu.memory_space<vmem>>
          %dma_wait3A_249 = tpu.memref_squeeze %dma_wait3A_248 : memref<1x128xi32, #tpu.memory_space<vmem>> -> memref<128xi32, #tpu.memory_space<vmem>>
          %dma_wait3A_250 = arith.constant 0 : i32
          %dma_wait3A_251 = arith.constant 0 : i32
          %dma_wait3A_252 = tpu.memref_slice %arg2[%dma_wait3A_250, %dma_wait3A_251] : memref<10000x128xf32, #tpu.memory_space<hbm>> -> memref<10000x128xf32, #tpu.memory_space<hbm>>
          tpu.wait_indirect_dma semaphore(%arg14 : memref<!tpu.dma_semaphore, #tpu.memory_space<semaphore_mem>>) src(%dma_wait3A_252 : memref<10000x128xf32, #tpu.memory_space<hbm>>) dst(%dma_wait3A_246 : memref<128x128xf32, #tpu.memory_space<vmem>>)
          %sub3A_253 = arith.constant 1 : i32
          %sub3A_254 = arith.subi %add3A_157, %sub3A_253 : i32
          %mul3A_255 = arith.constant 128 : i32
          %mul3A_256 = arith.muli %sub3A_254, %mul3A_255 : i32
          %dma_start3A_257 = arith.constant 1 : i32
          %dma_start3A_258 = arith.constant 0 : i32
          %dma_start3A_259 = arith.constant 0 : i32
          %dma_start3A_260 = tpu.memref_slice %arg9[%dma_start3A_257, %dma_start3A_258, %dma_start3A_259] : memref<2x128x128xf32, #tpu.memory_space<vmem>> -> memref<1x128x128xf32, #tpu.memory_space<vmem>>
          %dma_start3A_261 = tpu.memref_squeeze %dma_start3A_260 : memref<1x128x128xf32, #tpu.memory_space<vmem>> -> memref<128x128xf32, #tpu.memory_space<vmem>>
          %dma_start3A_262 = arith.constant 0 : i32
          %dma_start3A_263 = tpu.memref_slice %arg5[%mul3A_256, %dma_start3A_262] : memref<323584x128xf32, #tpu.memory_space<hbm>> -> memref<128x128xf32, #tpu.memory_space<hbm>>
          %dma_start3A_264 = arith.constant 0 : i32
          %dma_start3A_265 = tpu.memref_slice %arg5[%mul3A_256, %dma_start3A_264] : memref<323584x128xf32, #tpu.memory_space<hbm>> -> memref<128x128xf32, #tpu.memory_space<hbm>>
          %dma_start3A_266 = arith.constant 0 : i32
          %dma_start3A_267 = arith.constant 0 : i32
          %dma_start3A_268 = tpu.memref_slice %arg9[%dma_start3A_257, %dma_start3A_266, %dma_start3A_267] : memref<2x128x128xf32, #tpu.memory_space<vmem>> -> memref<1x128x128xf32, #tpu.memory_space<vmem>>
          %dma_start3A_269 = tpu.memref_squeeze %dma_start3A_268 : memref<1x128x128xf32, #tpu.memory_space<vmem>> -> memref<128x128xf32, #tpu.memory_space<vmem>>
          tpu.enqueue_dma source(%dma_start3A_269 : memref<128x128xf32, #tpu.memory_space<vmem>>) target(%dma_start3A_265 : memref<128x128xf32, #tpu.memory_space<hbm>>) target_semaphore(%arg16 : memref<!tpu.dma_semaphore, #tpu.memory_space<semaphore_mem>>)
          %mul3A_270 = arith.constant 128 : i32
          %mul3A_271 = arith.muli %sub3A_254, %mul3A_270 : i32
          %dma_start3A_272 = arith.constant 1 : i32
          %dma_start3A_273 = arith.constant 0 : i32
          %dma_start3A_274 = arith.constant 0 : i32
          %dma_start3A_275 = tpu.memref_slice %arg10[%dma_start3A_272, %dma_start3A_273, %dma_start3A_274] : memref<2x128x128xf32, #tpu.memory_space<vmem>> -> memref<1x128x128xf32, #tpu.memory_space<vmem>>
          %dma_start3A_276 = tpu.memref_squeeze %dma_start3A_275 : memref<1x128x128xf32, #tpu.memory_space<vmem>> -> memref<128x128xf32, #tpu.memory_space<vmem>>
          %dma_start3A_277 = arith.constant 0 : i32
          %dma_start3A_278 = tpu.memref_slice %arg6[%mul3A_271, %dma_start3A_277] : memref<323584x128xf32, #tpu.memory_space<hbm>> -> memref<128x128xf32, #tpu.memory_space<hbm>>
          %dma_start3A_279 = arith.constant 0 : i32
          %dma_start3A_280 = tpu.memref_slice %arg6[%mul3A_271, %dma_start3A_279] : memref<323584x128xf32, #tpu.memory_space<hbm>> -> memref<128x128xf32, #tpu.memory_space<hbm>>
          %dma_start3A_281 = arith.constant 0 : i32
          %dma_start3A_282 = arith.constant 0 : i32
          %dma_start3A_283 = tpu.memref_slice %arg10[%dma_start3A_272, %dma_start3A_281, %dma_start3A_282] : memref<2x128x128xf32, #tpu.memory_space<vmem>> -> memref<1x128x128xf32, #tpu.memory_space<vmem>>
          %dma_start3A_284 = tpu.memref_squeeze %dma_start3A_283 : memref<1x128x128xf32, #tpu.memory_space<vmem>> -> memref<128x128xf32, #tpu.memory_space<vmem>>
          tpu.enqueue_dma source(%dma_start3A_284 : memref<128x128xf32, #tpu.memory_space<vmem>>) target(%dma_start3A_280 : memref<128x128xf32, #tpu.memory_space<hbm>>) target_semaphore(%arg16 : memref<!tpu.dma_semaphore, #tpu.memory_space<semaphore_mem>>)
        } else {
        }
        %add3A_223 = arith.constant 1 : i32
        %add3A_224 = arith.addi %add3A_156, %add3A_223 : i32
        %lt3A = arith.constant 79 : i32
        %lt3A_225 = arith.cmpi slt, %add3A_224, %lt3A : i32
        %convert_element_type3A_226 = arith.extui %lt3A_225 : i1 to i32
        %cond3A_227 = arith.constant 0 : i32
        %cond3A_228 = arith.cmpi ne, %convert_element_type3A_226, %cond3A_227 : i32
        scf.if %cond3A_228 {
          %add3A_229 = arith.constant 1 : i32
          %add3A_230 = arith.addi %add3A_157, %add3A_229 : i32
          %mul3A_231 = arith.constant 128 : i32
          %mul3A_232 = arith.muli %add3A_230, %mul3A_231 : i32
          %dma_start3A_233 = arith.constant 1 : i32
          %dma_start3A_234 = arith.constant 0 : i32
          %dma_start3A_235 = tpu.memref_slice %arg7[%dma_start3A_233, %dma_start3A_234] : memref<2x128xi32, #tpu.memory_space<vmem>> -> memref<1x128xi32, #tpu.memory_space<vmem>>
          %dma_start3A_236 = tpu.memref_squeeze %dma_start3A_235 : memref<1x128xi32, #tpu.memory_space<vmem>> -> memref<128xi32, #tpu.memory_space<vmem>>
          %dma_start3A_237 = tpu.memref_slice %arg3[%mul3A_232] : memref<323584xi32, #tpu.memory_space<hbm>> -> memref<128xi32, #tpu.memory_space<hbm>>
          %dma_start3A_238 = arith.constant 0 : i32
          %dma_start3A_239 = tpu.memref_slice %arg7[%dma_start3A_233, %dma_start3A_238] : memref<2x128xi32, #tpu.memory_space<vmem>> -> memref<1x128xi32, #tpu.memory_space<vmem>>
          %dma_start3A_240 = tpu.memref_squeeze %dma_start3A_239 : memref<1x128xi32, #tpu.memory_space<vmem>> -> memref<128xi32, #tpu.memory_space<vmem>>
          %dma_start3A_241 = tpu.memref_slice %arg3[%mul3A_232] : memref<323584xi32, #tpu.memory_space<hbm>> -> memref<128xi32, #tpu.memory_space<hbm>>
          tpu.enqueue_dma source(%dma_start3A_241 : memref<128xi32, #tpu.memory_space<hbm>>) target(%dma_start3A_240 : memref<128xi32, #tpu.memory_space<vmem>>) target_semaphore(%arg12 : memref<!tpu.dma_semaphore, #tpu.memory_space<semaphore_mem>>)
          %mul3A_242 = arith.constant 128 : i32
          %mul3A_243 = arith.muli %add3A_230, %mul3A_242 : i32
          %dma_start3A_244 = arith.constant 1 : i32
          %dma_start3A_245 = arith.constant 0 : i32
          %dma_start3A_246 = tpu.memref_slice %arg8[%dma_start3A_244, %dma_start3A_245] : memref<2x128xi32, #tpu.memory_space<vmem>> -> memref<1x128xi32, #tpu.memory_space<vmem>>
          %dma_start3A_247 = tpu.memref_squeeze %dma_start3A_246 : memref<1x128xi32, #tpu.memory_space<vmem>> -> memref<128xi32, #tpu.memory_space<vmem>>
          %dma_start3A_248 = tpu.memref_slice %arg4[%mul3A_243] : memref<323584xi32, #tpu.memory_space<hbm>> -> memref<128xi32, #tpu.memory_space<hbm>>
          %dma_start3A_249 = arith.constant 0 : i32
          %dma_start3A_250 = tpu.memref_slice %arg8[%dma_start3A_244, %dma_start3A_249] : memref<2x128xi32, #tpu.memory_space<vmem>> -> memref<1x128xi32, #tpu.memory_space<vmem>>
          %dma_start3A_251 = tpu.memref_squeeze %dma_start3A_250 : memref<1x128xi32, #tpu.memory_space<vmem>> -> memref<128xi32, #tpu.memory_space<vmem>>
          %dma_start3A_252 = tpu.memref_slice %arg4[%mul3A_243] : memref<323584xi32, #tpu.memory_space<hbm>> -> memref<128xi32, #tpu.memory_space<hbm>>
          tpu.enqueue_dma source(%dma_start3A_252 : memref<128xi32, #tpu.memory_space<hbm>>) target(%dma_start3A_251 : memref<128xi32, #tpu.memory_space<vmem>>) target_semaphore(%arg12 : memref<!tpu.dma_semaphore, #tpu.memory_space<semaphore_mem>>)
        } else {
        }
      } else {
      }
      %rem3A_161 = arith.constant 2 : i32
      %rem3A_162 = arith.remsi %add3A_156, %rem3A_161 : i32
      %eq3A_163 = arith.constant 1 : i32
      %eq3A_164 = arith.cmpi eq, %rem3A_162, %eq3A_163 : i32
      %convert_element_type3A_165 = arith.extui %eq3A_164 : i1 to i32
      %cond3A_166 = arith.constant 0 : i32
      %cond3A_167 = arith.cmpi ne, %convert_element_type3A_165, %cond3A_166 : i32
      scf.if %cond3A_167 {
        %ge3A = arith.constant 2 : i32
        %ge3A_168 = arith.cmpi sge, %add3A_156, %ge3A : i32
        %convert_element_type3A_169 = arith.extui %ge3A_168 : i1 to i32
        %cond3A_170 = arith.constant 0 : i32
        %cond3A_171 = arith.cmpi ne, %convert_element_type3A_169, %cond3A_170 : i32
        scf.if %cond3A_171 {
          %sub3A_229 = arith.constant 2 : i32
          %sub3A_230 = arith.subi %add3A_157, %sub3A_229 : i32
          %mul3A_231 = arith.constant 128 : i32
          %mul3A_232 = arith.muli %sub3A_230, %mul3A_231 : i32
          %dma_wait3A_233 = arith.constant 1 : i32
          %dma_wait3A_234 = arith.constant 0 : i32
          %dma_wait3A_235 = arith.constant 0 : i32
          %dma_wait3A_236 = tpu.memref_slice %arg9[%dma_wait3A_233, %dma_wait3A_234, %dma_wait3A_235] : memref<2x128x128xf32, #tpu.memory_space<vmem>> -> memref<1x128x128xf32, #tpu.memory_space<vmem>>
          %dma_wait3A_237 = tpu.memref_squeeze %dma_wait3A_236 : memref<1x128x128xf32, #tpu.memory_space<vmem>> -> memref<128x128xf32, #tpu.memory_space<vmem>>
          %dma_wait3A_238 = arith.constant 0 : i32
          %dma_wait3A_239 = tpu.memref_slice %arg5[%mul3A_232, %dma_wait3A_238] : memref<323584x128xf32, #tpu.memory_space<hbm>> -> memref<128x128xf32, #tpu.memory_space<hbm>>
          %dma_wait3A_240 = arith.constant 0 : i32
          %dma_wait3A_241 = tpu.memref_slice %arg5[%mul3A_232, %dma_wait3A_240] : memref<323584x128xf32, #tpu.memory_space<hbm>> -> memref<128x128xf32, #tpu.memory_space<hbm>>
          %dma_wait3A_242 = arith.constant 0 : i32
          %dma_wait3A_243 = arith.constant 0 : i32
          %dma_wait3A_244 = tpu.memref_slice %arg9[%dma_wait3A_233, %dma_wait3A_242, %dma_wait3A_243] : memref<2x128x128xf32, #tpu.memory_space<vmem>> -> memref<1x128x128xf32, #tpu.memory_space<vmem>>
          %dma_wait3A_245 = tpu.memref_squeeze %dma_wait3A_244 : memref<1x128x128xf32, #tpu.memory_space<vmem>> -> memref<128x128xf32, #tpu.memory_space<vmem>>
          tpu.wait_dma2 semaphore(%arg16 : memref<!tpu.dma_semaphore, #tpu.memory_space<semaphore_mem>>) src(%dma_wait3A_245 : memref<128x128xf32, #tpu.memory_space<vmem>>) dst(%dma_wait3A_241 : memref<128x128xf32, #tpu.memory_space<hbm>>)
          %mul3A_246 = arith.constant 128 : i32
          %mul3A_247 = arith.muli %sub3A_230, %mul3A_246 : i32
          %dma_wait3A_248 = arith.constant 1 : i32
          %dma_wait3A_249 = arith.constant 0 : i32
          %dma_wait3A_250 = arith.constant 0 : i32
          %dma_wait3A_251 = tpu.memref_slice %arg10[%dma_wait3A_248, %dma_wait3A_249, %dma_wait3A_250] : memref<2x128x128xf32, #tpu.memory_space<vmem>> -> memref<1x128x128xf32, #tpu.memory_space<vmem>>
          %dma_wait3A_252 = tpu.memref_squeeze %dma_wait3A_251 : memref<1x128x128xf32, #tpu.memory_space<vmem>> -> memref<128x128xf32, #tpu.memory_space<vmem>>
          %dma_wait3A_253 = arith.constant 0 : i32
          %dma_wait3A_254 = tpu.memref_slice %arg6[%mul3A_247, %dma_wait3A_253] : memref<323584x128xf32, #tpu.memory_space<hbm>> -> memref<128x128xf32, #tpu.memory_space<hbm>>
          %dma_wait3A_255 = arith.constant 0 : i32
          %dma_wait3A_256 = tpu.memref_slice %arg6[%mul3A_247, %dma_wait3A_255] : memref<323584x128xf32, #tpu.memory_space<hbm>> -> memref<128x128xf32, #tpu.memory_space<hbm>>
          %dma_wait3A_257 = arith.constant 0 : i32
          %dma_wait3A_258 = arith.constant 0 : i32
          %dma_wait3A_259 = tpu.memref_slice %arg10[%dma_wait3A_248, %dma_wait3A_257, %dma_wait3A_258] : memref<2x128x128xf32, #tpu.memory_space<vmem>> -> memref<1x128x128xf32, #tpu.memory_space<vmem>>
          %dma_wait3A_260 = tpu.memref_squeeze %dma_wait3A_259 : memref<1x128x128xf32, #tpu.memory_space<vmem>> -> memref<128x128xf32, #tpu.memory_space<vmem>>
          tpu.wait_dma2 semaphore(%arg16 : memref<!tpu.dma_semaphore, #tpu.memory_space<semaphore_mem>>) src(%dma_wait3A_260 : memref<128x128xf32, #tpu.memory_space<vmem>>) dst(%dma_wait3A_256 : memref<128x128xf32, #tpu.memory_space<hbm>>)
        } else {
        }
        %mul3A_172 = arith.constant 128 : i32
        %mul3A_173 = arith.muli %add3A_157, %mul3A_172 : i32
        %dma_wait3A_174 = arith.constant 1 : i32
        %dma_wait3A_175 = arith.constant 0 : i32
        %dma_wait3A_176 = tpu.memref_slice %arg7[%dma_wait3A_174, %dma_wait3A_175] : memref<2x128xi32, #tpu.memory_space<vmem>> -> memref<1x128xi32, #tpu.memory_space<vmem>>
        %dma_wait3A_177 = tpu.memref_squeeze %dma_wait3A_176 : memref<1x128xi32, #tpu.memory_space<vmem>> -> memref<128xi32, #tpu.memory_space<vmem>>
        %dma_wait3A_178 = tpu.memref_slice %arg3[%mul3A_173] : memref<323584xi32, #tpu.memory_space<hbm>> -> memref<128xi32, #tpu.memory_space<hbm>>
        %dma_wait3A_179 = arith.constant 0 : i32
        %dma_wait3A_180 = tpu.memref_slice %arg7[%dma_wait3A_174, %dma_wait3A_179] : memref<2x128xi32, #tpu.memory_space<vmem>> -> memref<1x128xi32, #tpu.memory_space<vmem>>
        %dma_wait3A_181 = tpu.memref_squeeze %dma_wait3A_180 : memref<1x128xi32, #tpu.memory_space<vmem>> -> memref<128xi32, #tpu.memory_space<vmem>>
        %dma_wait3A_182 = tpu.memref_slice %arg3[%mul3A_173] : memref<323584xi32, #tpu.memory_space<hbm>> -> memref<128xi32, #tpu.memory_space<hbm>>
        tpu.wait_dma2 semaphore(%arg12 : memref<!tpu.dma_semaphore, #tpu.memory_space<semaphore_mem>>) src(%dma_wait3A_182 : memref<128xi32, #tpu.memory_space<hbm>>) dst(%dma_wait3A_181 : memref<128xi32, #tpu.memory_space<vmem>>)
        %mul3A_183 = arith.constant 128 : i32
        %mul3A_184 = arith.muli %add3A_157, %mul3A_183 : i32
        %dma_wait3A_185 = arith.constant 1 : i32
        %dma_wait3A_186 = arith.constant 0 : i32
        %dma_wait3A_187 = tpu.memref_slice %arg8[%dma_wait3A_185, %dma_wait3A_186] : memref<2x128xi32, #tpu.memory_space<vmem>> -> memref<1x128xi32, #tpu.memory_space<vmem>>
        %dma_wait3A_188 = tpu.memref_squeeze %dma_wait3A_187 : memref<1x128xi32, #tpu.memory_space<vmem>> -> memref<128xi32, #tpu.memory_space<vmem>>
        %dma_wait3A_189 = tpu.memref_slice %arg4[%mul3A_184] : memref<323584xi32, #tpu.memory_space<hbm>> -> memref<128xi32, #tpu.memory_space<hbm>>
        %dma_wait3A_190 = arith.constant 0 : i32
        %dma_wait3A_191 = tpu.memref_slice %arg8[%dma_wait3A_185, %dma_wait3A_190] : memref<2x128xi32, #tpu.memory_space<vmem>> -> memref<1x128xi32, #tpu.memory_space<vmem>>
        %dma_wait3A_192 = tpu.memref_squeeze %dma_wait3A_191 : memref<1x128xi32, #tpu.memory_space<vmem>> -> memref<128xi32, #tpu.memory_space<vmem>>
        %dma_wait3A_193 = tpu.memref_slice %arg4[%mul3A_184] : memref<323584xi32, #tpu.memory_space<hbm>> -> memref<128xi32, #tpu.memory_space<hbm>>
        tpu.wait_dma2 semaphore(%arg12 : memref<!tpu.dma_semaphore, #tpu.memory_space<semaphore_mem>>) src(%dma_wait3A_193 : memref<128xi32, #tpu.memory_space<hbm>>) dst(%dma_wait3A_192 : memref<128xi32, #tpu.memory_space<vmem>>)
        %dma_start3A_194 = arith.constant 1 : i32
        %dma_start3A_195 = arith.constant 1 : i32
        %dma_start3A_196 = arith.constant 0 : i32
        %dma_start3A_197 = arith.constant 0 : i32
        %dma_start3A_198 = tpu.memref_slice %arg9[%dma_start3A_195, %dma_start3A_196, %dma_start3A_197] : memref<2x128x128xf32, #tpu.memory_space<vmem>> -> memref<1x128x128xf32, #tpu.memory_space<vmem>>
        %dma_start3A_199 = tpu.memref_squeeze %dma_start3A_198 : memref<1x128x128xf32, #tpu.memory_space<vmem>> -> memref<128x128xf32, #tpu.memory_space<vmem>>
        %dma_start3A_200 = arith.constant 0 : i32
        %dma_start3A_201 = tpu.memref_slice %arg7[%dma_start3A_194, %dma_start3A_200] : memref<2x128xi32, #tpu.memory_space<vmem>> -> memref<1x128xi32, #tpu.memory_space<vmem>>
        %dma_start3A_202 = tpu.memref_squeeze %dma_start3A_201 : memref<1x128xi32, #tpu.memory_space<vmem>> -> memref<128xi32, #tpu.memory_space<vmem>>
        %dma_start3A_203 = arith.constant 0 : i32
        %dma_start3A_204 = arith.constant 0 : i32
        %dma_start3A_205 = tpu.memref_slice %arg2[%dma_start3A_203, %dma_start3A_204] : memref<10000x128xf32, #tpu.memory_space<hbm>> -> memref<10000x128xf32, #tpu.memory_space<hbm>>
        tpu.enqueue_indirect_dma source(%dma_start3A_205 : memref<10000x128xf32, #tpu.memory_space<hbm>>) target(%dma_start3A_199 : memref<128x128xf32, #tpu.memory_space<vmem>>) offsets(%dma_start3A_202 : memref<128xi32, #tpu.memory_space<vmem>>) semaphore(%arg14 : memref<!tpu.dma_semaphore, #tpu.memory_space<semaphore_mem>>)
        %dma_start3A_206 = arith.constant 1 : i32
        %dma_start3A_207 = arith.constant 1 : i32
        %dma_start3A_208 = arith.constant 0 : i32
        %dma_start3A_209 = arith.constant 0 : i32
        %dma_start3A_210 = tpu.memref_slice %arg10[%dma_start3A_207, %dma_start3A_208, %dma_start3A_209] : memref<2x128x128xf32, #tpu.memory_space<vmem>> -> memref<1x128x128xf32, #tpu.memory_space<vmem>>
        %dma_start3A_211 = tpu.memref_squeeze %dma_start3A_210 : memref<1x128x128xf32, #tpu.memory_space<vmem>> -> memref<128x128xf32, #tpu.memory_space<vmem>>
        %dma_start3A_212 = arith.constant 0 : i32
        %dma_start3A_213 = tpu.memref_slice %arg8[%dma_start3A_206, %dma_start3A_212] : memref<2x128xi32, #tpu.memory_space<vmem>> -> memref<1x128xi32, #tpu.memory_space<vmem>>
        %dma_start3A_214 = tpu.memref_squeeze %dma_start3A_213 : memref<1x128xi32, #tpu.memory_space<vmem>> -> memref<128xi32, #tpu.memory_space<vmem>>
        %dma_start3A_215 = arith.constant 0 : i32
        %dma_start3A_216 = arith.constant 0 : i32
        %dma_start3A_217 = tpu.memref_slice %arg2[%dma_start3A_215, %dma_start3A_216] : memref<10000x128xf32, #tpu.memory_space<hbm>> -> memref<10000x128xf32, #tpu.memory_space<hbm>>
        tpu.enqueue_indirect_dma source(%dma_start3A_217 : memref<10000x128xf32, #tpu.memory_space<hbm>>) target(%dma_start3A_211 : memref<128x128xf32, #tpu.memory_space<vmem>>) offsets(%dma_start3A_214 : memref<128xi32, #tpu.memory_space<vmem>>) semaphore(%arg14 : memref<!tpu.dma_semaphore, #tpu.memory_space<semaphore_mem>>)
        %ge3A_218 = arith.constant 1 : i32
        %ge3A_219 = arith.cmpi sge, %add3A_156, %ge3A_218 : i32
        %convert_element_type3A_220 = arith.extui %ge3A_219 : i1 to i32
        %cond3A_221 = arith.constant 0 : i32
        %cond3A_222 = arith.cmpi ne, %convert_element_type3A_220, %cond3A_221 : i32
        scf.if %cond3A_222 {
          %dma_wait3A_229 = arith.constant 0 : i32
          %dma_wait3A_230 = arith.constant 0 : i32
          %dma_wait3A_231 = arith.constant 0 : i32
          %dma_wait3A_232 = arith.constant 0 : i32
          %dma_wait3A_233 = tpu.memref_slice %arg9[%dma_wait3A_230, %dma_wait3A_231, %dma_wait3A_232] : memref<2x128x128xf32, #tpu.memory_space<vmem>> -> memref<1x128x128xf32, #tpu.memory_space<vmem>>
          %dma_wait3A_234 = tpu.memref_squeeze %dma_wait3A_233 : memref<1x128x128xf32, #tpu.memory_space<vmem>> -> memref<128x128xf32, #tpu.memory_space<vmem>>
          %dma_wait3A_235 = arith.constant 0 : i32
          %dma_wait3A_236 = tpu.memref_slice %arg7[%dma_wait3A_229, %dma_wait3A_235] : memref<2x128xi32, #tpu.memory_space<vmem>> -> memref<1x128xi32, #tpu.memory_space<vmem>>
          %dma_wait3A_237 = tpu.memref_squeeze %dma_wait3A_236 : memref<1x128xi32, #tpu.memory_space<vmem>> -> memref<128xi32, #tpu.memory_space<vmem>>
          %dma_wait3A_238 = arith.constant 0 : i32
          %dma_wait3A_239 = arith.constant 0 : i32
          %dma_wait3A_240 = tpu.memref_slice %arg2[%dma_wait3A_238, %dma_wait3A_239] : memref<10000x128xf32, #tpu.memory_space<hbm>> -> memref<10000x128xf32, #tpu.memory_space<hbm>>
          tpu.wait_indirect_dma semaphore(%arg13 : memref<!tpu.dma_semaphore, #tpu.memory_space<semaphore_mem>>) src(%dma_wait3A_240 : memref<10000x128xf32, #tpu.memory_space<hbm>>) dst(%dma_wait3A_234 : memref<128x128xf32, #tpu.memory_space<vmem>>)
          %dma_wait3A_241 = arith.constant 0 : i32
          %dma_wait3A_242 = arith.constant 0 : i32
          %dma_wait3A_243 = arith.constant 0 : i32
          %dma_wait3A_244 = arith.constant 0 : i32
          %dma_wait3A_245 = tpu.memref_slice %arg10[%dma_wait3A_242, %dma_wait3A_243, %dma_wait3A_244] : memref<2x128x128xf32, #tpu.memory_space<vmem>> -> memref<1x128x128xf32, #tpu.memory_space<vmem>>
          %dma_wait3A_246 = tpu.memref_squeeze %dma_wait3A_245 : memref<1x128x128xf32, #tpu.memory_space<vmem>> -> memref<128x128xf32, #tpu.memory_space<vmem>>
          %dma_wait3A_247 = arith.constant 0 : i32
          %dma_wait3A_248 = tpu.memref_slice %arg8[%dma_wait3A_241, %dma_wait3A_247] : memref<2x128xi32, #tpu.memory_space<vmem>> -> memref<1x128xi32, #tpu.memory_space<vmem>>
          %dma_wait3A_249 = tpu.memref_squeeze %dma_wait3A_248 : memref<1x128xi32, #tpu.memory_space<vmem>> -> memref<128xi32, #tpu.memory_space<vmem>>
          %dma_wait3A_250 = arith.constant 0 : i32
          %dma_wait3A_251 = arith.constant 0 : i32
          %dma_wait3A_252 = tpu.memref_slice %arg2[%dma_wait3A_250, %dma_wait3A_251] : memref<10000x128xf32, #tpu.memory_space<hbm>> -> memref<10000x128xf32, #tpu.memory_space<hbm>>
          tpu.wait_indirect_dma semaphore(%arg13 : memref<!tpu.dma_semaphore, #tpu.memory_space<semaphore_mem>>) src(%dma_wait3A_252 : memref<10000x128xf32, #tpu.memory_space<hbm>>) dst(%dma_wait3A_246 : memref<128x128xf32, #tpu.memory_space<vmem>>)
          %sub3A_253 = arith.constant 1 : i32
          %sub3A_254 = arith.subi %add3A_157, %sub3A_253 : i32
          %mul3A_255 = arith.constant 128 : i32
          %mul3A_256 = arith.muli %sub3A_254, %mul3A_255 : i32
          %dma_start3A_257 = arith.constant 0 : i32
          %dma_start3A_258 = arith.constant 0 : i32
          %dma_start3A_259 = arith.constant 0 : i32
          %dma_start3A_260 = tpu.memref_slice %arg9[%dma_start3A_257, %dma_start3A_258, %dma_start3A_259] : memref<2x128x128xf32, #tpu.memory_space<vmem>> -> memref<1x128x128xf32, #tpu.memory_space<vmem>>
          %dma_start3A_261 = tpu.memref_squeeze %dma_start3A_260 : memref<1x128x128xf32, #tpu.memory_space<vmem>> -> memref<128x128xf32, #tpu.memory_space<vmem>>
          %dma_start3A_262 = arith.constant 0 : i32
          %dma_start3A_263 = tpu.memref_slice %arg5[%mul3A_256, %dma_start3A_262] : memref<323584x128xf32, #tpu.memory_space<hbm>> -> memref<128x128xf32, #tpu.memory_space<hbm>>
          %dma_start3A_264 = arith.constant 0 : i32
          %dma_start3A_265 = tpu.memref_slice %arg5[%mul3A_256, %dma_start3A_264] : memref<323584x128xf32, #tpu.memory_space<hbm>> -> memref<128x128xf32, #tpu.memory_space<hbm>>
          %dma_start3A_266 = arith.constant 0 : i32
          %dma_start3A_267 = arith.constant 0 : i32
          %dma_start3A_268 = tpu.memref_slice %arg9[%dma_start3A_257, %dma_start3A_266, %dma_start3A_267] : memref<2x128x128xf32, #tpu.memory_space<vmem>> -> memref<1x128x128xf32, #tpu.memory_space<vmem>>
          %dma_start3A_269 = tpu.memref_squeeze %dma_start3A_268 : memref<1x128x128xf32, #tpu.memory_space<vmem>> -> memref<128x128xf32, #tpu.memory_space<vmem>>
          tpu.enqueue_dma source(%dma_start3A_269 : memref<128x128xf32, #tpu.memory_space<vmem>>) target(%dma_start3A_265 : memref<128x128xf32, #tpu.memory_space<hbm>>) target_semaphore(%arg15 : memref<!tpu.dma_semaphore, #tpu.memory_space<semaphore_mem>>)
          %mul3A_270 = arith.constant 128 : i32
          %mul3A_271 = arith.muli %sub3A_254, %mul3A_270 : i32
          %dma_start3A_272 = arith.constant 0 : i32
          %dma_start3A_273 = arith.constant 0 : i32
          %dma_start3A_274 = arith.constant 0 : i32
          %dma_start3A_275 = tpu.memref_slice %arg10[%dma_start3A_272, %dma_start3A_273, %dma_start3A_274] : memref<2x128x128xf32, #tpu.memory_space<vmem>> -> memref<1x128x128xf32, #tpu.memory_space<vmem>>
          %dma_start3A_276 = tpu.memref_squeeze %dma_start3A_275 : memref<1x128x128xf32, #tpu.memory_space<vmem>> -> memref<128x128xf32, #tpu.memory_space<vmem>>
          %dma_start3A_277 = arith.constant 0 : i32
          %dma_start3A_278 = tpu.memref_slice %arg6[%mul3A_271, %dma_start3A_277] : memref<323584x128xf32, #tpu.memory_space<hbm>> -> memref<128x128xf32, #tpu.memory_space<hbm>>
          %dma_start3A_279 = arith.constant 0 : i32
          %dma_start3A_280 = tpu.memref_slice %arg6[%mul3A_271, %dma_start3A_279] : memref<323584x128xf32, #tpu.memory_space<hbm>> -> memref<128x128xf32, #tpu.memory_space<hbm>>
          %dma_start3A_281 = arith.constant 0 : i32
          %dma_start3A_282 = arith.constant 0 : i32
          %dma_start3A_283 = tpu.memref_slice %arg10[%dma_start3A_272, %dma_start3A_281, %dma_start3A_282] : memref<2x128x128xf32, #tpu.memory_space<vmem>> -> memref<1x128x128xf32, #tpu.memory_space<vmem>>
          %dma_start3A_284 = tpu.memref_squeeze %dma_start3A_283 : memref<1x128x128xf32, #tpu.memory_space<vmem>> -> memref<128x128xf32, #tpu.memory_space<vmem>>
          tpu.enqueue_dma source(%dma_start3A_284 : memref<128x128xf32, #tpu.memory_space<vmem>>) target(%dma_start3A_280 : memref<128x128xf32, #tpu.memory_space<hbm>>) target_semaphore(%arg15 : memref<!tpu.dma_semaphore, #tpu.memory_space<semaphore_mem>>)
        } else {
        }
        %add3A_223 = arith.constant 1 : i32
        %add3A_224 = arith.addi %add3A_156, %add3A_223 : i32
        %lt3A = arith.constant 79 : i32
        %lt3A_225 = arith.cmpi slt, %add3A_224, %lt3A : i32
        %convert_element_type3A_226 = arith.extui %lt3A_225 : i1 to i32
        %cond3A_227 = arith.constant 0 : i32
        %cond3A_228 = arith.cmpi ne, %convert_element_type3A_226, %cond3A_227 : i32
        scf.if %cond3A_228 {
          %add3A_229 = arith.constant 1 : i32
          %add3A_230 = arith.addi %add3A_157, %add3A_229 : i32
          %mul3A_231 = arith.constant 128 : i32
          %mul3A_232 = arith.muli %add3A_230, %mul3A_231 : i32
          %dma_start3A_233 = arith.constant 0 : i32
          %dma_start3A_234 = arith.constant 0 : i32
          %dma_start3A_235 = tpu.memref_slice %arg7[%dma_start3A_233, %dma_start3A_234] : memref<2x128xi32, #tpu.memory_space<vmem>> -> memref<1x128xi32, #tpu.memory_space<vmem>>
          %dma_start3A_236 = tpu.memref_squeeze %dma_start3A_235 : memref<1x128xi32, #tpu.memory_space<vmem>> -> memref<128xi32, #tpu.memory_space<vmem>>
          %dma_start3A_237 = tpu.memref_slice %arg3[%mul3A_232] : memref<323584xi32, #tpu.memory_space<hbm>> -> memref<128xi32, #tpu.memory_space<hbm>>
          %dma_start3A_238 = arith.constant 0 : i32
          %dma_start3A_239 = tpu.memref_slice %arg7[%dma_start3A_233, %dma_start3A_238] : memref<2x128xi32, #tpu.memory_space<vmem>> -> memref<1x128xi32, #tpu.memory_space<vmem>>
          %dma_start3A_240 = tpu.memref_squeeze %dma_start3A_239 : memref<1x128xi32, #tpu.memory_space<vmem>> -> memref<128xi32, #tpu.memory_space<vmem>>
          %dma_start3A_241 = tpu.memref_slice %arg3[%mul3A_232] : memref<323584xi32, #tpu.memory_space<hbm>> -> memref<128xi32, #tpu.memory_space<hbm>>
          tpu.enqueue_dma source(%dma_start3A_241 : memref<128xi32, #tpu.memory_space<hbm>>) target(%dma_start3A_240 : memref<128xi32, #tpu.memory_space<vmem>>) target_semaphore(%arg11 : memref<!tpu.dma_semaphore, #tpu.memory_space<semaphore_mem>>)
          %mul3A_242 = arith.constant 128 : i32
          %mul3A_243 = arith.muli %add3A_230, %mul3A_242 : i32
          %dma_start3A_244 = arith.constant 0 : i32
          %dma_start3A_245 = arith.constant 0 : i32
          %dma_start3A_246 = tpu.memref_slice %arg8[%dma_start3A_244, %dma_start3A_245] : memref<2x128xi32, #tpu.memory_space<vmem>> -> memref<1x128xi32, #tpu.memory_space<vmem>>
          %dma_start3A_247 = tpu.memref_squeeze %dma_start3A_246 : memref<1x128xi32, #tpu.memory_space<vmem>> -> memref<128xi32, #tpu.memory_space<vmem>>
          %dma_start3A_248 = tpu.memref_slice %arg4[%mul3A_243] : memref<323584xi32, #tpu.memory_space<hbm>> -> memref<128xi32, #tpu.memory_space<hbm>>
          %dma_start3A_249 = arith.constant 0 : i32
          %dma_start3A_250 = tpu.memref_slice %arg8[%dma_start3A_244, %dma_start3A_249] : memref<2x128xi32, #tpu.memory_space<vmem>> -> memref<1x128xi32, #tpu.memory_space<vmem>>
          %dma_start3A_251 = tpu.memref_squeeze %dma_start3A_250 : memref<1x128xi32, #tpu.memory_space<vmem>> -> memref<128xi32, #tpu.memory_space<vmem>>
          %dma_start3A_252 = tpu.memref_slice %arg4[%mul3A_243] : memref<323584xi32, #tpu.memory_space<hbm>> -> memref<128xi32, #tpu.memory_space<hbm>>
          tpu.enqueue_dma source(%dma_start3A_252 : memref<128xi32, #tpu.memory_space<hbm>>) target(%dma_start3A_251 : memref<128xi32, #tpu.memory_space<vmem>>) target_semaphore(%arg11 : memref<!tpu.dma_semaphore, #tpu.memory_space<semaphore_mem>>)
        } else {
        }
      } else {
      }
    }
    %scan3A_27 = arith.constant 79 : i32
    %dma_wait3A = arith.constant 0 : i32
    %dma_wait3A_28 = arith.constant 0 : i32
    %dma_wait3A_29 = arith.constant 0 : i32
    %dma_wait3A_30 = arith.constant 0 : i32
    %dma_wait3A_31 = tpu.memref_slice %arg9[%dma_wait3A_28, %dma_wait3A_29, %dma_wait3A_30] : memref<2x128x128xf32, #tpu.memory_space<vmem>> -> memref<1x128x128xf32, #tpu.memory_space<vmem>>
    %dma_wait3A_32 = tpu.memref_squeeze %dma_wait3A_31 : memref<1x128x128xf32, #tpu.memory_space<vmem>> -> memref<128x128xf32, #tpu.memory_space<vmem>>
    %dma_wait3A_33 = arith.constant 0 : i32
    %dma_wait3A_34 = tpu.memref_slice %arg7[%dma_wait3A, %dma_wait3A_33] : memref<2x128xi32, #tpu.memory_space<vmem>> -> memref<1x128xi32, #tpu.memory_space<vmem>>
    %dma_wait3A_35 = tpu.memref_squeeze %dma_wait3A_34 : memref<1x128xi32, #tpu.memory_space<vmem>> -> memref<128xi32, #tpu.memory_space<vmem>>
    %dma_wait3A_36 = arith.constant 0 : i32
    %dma_wait3A_37 = arith.constant 0 : i32
    %dma_wait3A_38 = tpu.memref_slice %arg2[%dma_wait3A_36, %dma_wait3A_37] : memref<10000x128xf32, #tpu.memory_space<hbm>> -> memref<10000x128xf32, #tpu.memory_space<hbm>>
    tpu.wait_indirect_dma semaphore(%arg13 : memref<!tpu.dma_semaphore, #tpu.memory_space<semaphore_mem>>) src(%dma_wait3A_38 : memref<10000x128xf32, #tpu.memory_space<hbm>>) dst(%dma_wait3A_32 : memref<128x128xf32, #tpu.memory_space<vmem>>)
    %dma_wait3A_39 = arith.constant 0 : i32
    %dma_wait3A_40 = arith.constant 0 : i32
    %dma_wait3A_41 = arith.constant 0 : i32
    %dma_wait3A_42 = arith.constant 0 : i32
    %dma_wait3A_43 = tpu.memref_slice %arg10[%dma_wait3A_40, %dma_wait3A_41, %dma_wait3A_42] : memref<2x128x128xf32, #tpu.memory_space<vmem>> -> memref<1x128x128xf32, #tpu.memory_space<vmem>>
    %dma_wait3A_44 = tpu.memref_squeeze %dma_wait3A_43 : memref<1x128x128xf32, #tpu.memory_space<vmem>> -> memref<128x128xf32, #tpu.memory_space<vmem>>
    %dma_wait3A_45 = arith.constant 0 : i32
    %dma_wait3A_46 = tpu.memref_slice %arg8[%dma_wait3A_39, %dma_wait3A_45] : memref<2x128xi32, #tpu.memory_space<vmem>> -> memref<1x128xi32, #tpu.memory_space<vmem>>
    %dma_wait3A_47 = tpu.memref_squeeze %dma_wait3A_46 : memref<1x128xi32, #tpu.memory_space<vmem>> -> memref<128xi32, #tpu.memory_space<vmem>>
    %dma_wait3A_48 = arith.constant 0 : i32
    %dma_wait3A_49 = arith.constant 0 : i32
    %dma_wait3A_50 = tpu.memref_slice %arg2[%dma_wait3A_48, %dma_wait3A_49] : memref<10000x128xf32, #tpu.memory_space<hbm>> -> memref<10000x128xf32, #tpu.memory_space<hbm>>
    tpu.wait_indirect_dma semaphore(%arg13 : memref<!tpu.dma_semaphore, #tpu.memory_space<semaphore_mem>>) src(%dma_wait3A_50 : memref<10000x128xf32, #tpu.memory_space<hbm>>) dst(%dma_wait3A_44 : memref<128x128xf32, #tpu.memory_space<vmem>>)
    %add3A_51 = arith.constant 79 : i32
    %add3A_52 = arith.addi %mul3A_2, %add3A_51 : i32
    %sub3A = arith.constant 1 : i32
    %sub3A_53 = arith.subi %add3A_52, %sub3A : i32
    %mul3A_54 = arith.constant 128 : i32
    %mul3A_55 = arith.muli %sub3A_53, %mul3A_54 : i32
    %dma_start3A_56 = arith.constant 0 : i32
    %dma_start3A_57 = arith.constant 0 : i32
    %dma_start3A_58 = arith.constant 0 : i32
    %dma_start3A_59 = tpu.memref_slice %arg9[%dma_start3A_56, %dma_start3A_57, %dma_start3A_58] : memref<2x128x128xf32, #tpu.memory_space<vmem>> -> memref<1x128x128xf32, #tpu.memory_space<vmem>>
    %dma_start3A_60 = tpu.memref_squeeze %dma_start3A_59 : memref<1x128x128xf32, #tpu.memory_space<vmem>> -> memref<128x128xf32, #tpu.memory_space<vmem>>
    %dma_start3A_61 = arith.constant 0 : i32
    %dma_start3A_62 = tpu.memref_slice %arg5[%mul3A_55, %dma_start3A_61] : memref<323584x128xf32, #tpu.memory_space<hbm>> -> memref<128x128xf32, #tpu.memory_space<hbm>>
    %dma_start3A_63 = arith.constant 0 : i32
    %dma_start3A_64 = tpu.memref_slice %arg5[%mul3A_55, %dma_start3A_63] : memref<323584x128xf32, #tpu.memory_space<hbm>> -> memref<128x128xf32, #tpu.memory_space<hbm>>
    %dma_start3A_65 = arith.constant 0 : i32
    %dma_start3A_66 = arith.constant 0 : i32
    %dma_start3A_67 = tpu.memref_slice %arg9[%dma_start3A_56, %dma_start3A_65, %dma_start3A_66] : memref<2x128x128xf32, #tpu.memory_space<vmem>> -> memref<1x128x128xf32, #tpu.memory_space<vmem>>
    %dma_start3A_68 = tpu.memref_squeeze %dma_start3A_67 : memref<1x128x128xf32, #tpu.memory_space<vmem>> -> memref<128x128xf32, #tpu.memory_space<vmem>>
    tpu.enqueue_dma source(%dma_start3A_68 : memref<128x128xf32, #tpu.memory_space<vmem>>) target(%dma_start3A_64 : memref<128x128xf32, #tpu.memory_space<hbm>>) target_semaphore(%arg15 : memref<!tpu.dma_semaphore, #tpu.memory_space<semaphore_mem>>)
    %mul3A_69 = arith.constant 128 : i32
    %mul3A_70 = arith.muli %sub3A_53, %mul3A_69 : i32
    %dma_start3A_71 = arith.constant 0 : i32
    %dma_start3A_72 = arith.constant 0 : i32
    %dma_start3A_73 = arith.constant 0 : i32
    %dma_start3A_74 = tpu.memref_slice %arg10[%dma_start3A_71, %dma_start3A_72, %dma_start3A_73] : memref<2x128x128xf32, #tpu.memory_space<vmem>> -> memref<1x128x128xf32, #tpu.memory_space<vmem>>
    %dma_start3A_75 = tpu.memref_squeeze %dma_start3A_74 : memref<1x128x128xf32, #tpu.memory_space<vmem>> -> memref<128x128xf32, #tpu.memory_space<vmem>>
    %dma_start3A_76 = arith.constant 0 : i32
    %dma_start3A_77 = tpu.memref_slice %arg6[%mul3A_70, %dma_start3A_76] : memref<323584x128xf32, #tpu.memory_space<hbm>> -> memref<128x128xf32, #tpu.memory_space<hbm>>
    %dma_start3A_78 = arith.constant 0 : i32
    %dma_start3A_79 = tpu.memref_slice %arg6[%mul3A_70, %dma_start3A_78] : memref<323584x128xf32, #tpu.memory_space<hbm>> -> memref<128x128xf32, #tpu.memory_space<hbm>>
    %dma_start3A_80 = arith.constant 0 : i32
    %dma_start3A_81 = arith.constant 0 : i32
    %dma_start3A_82 = tpu.memref_slice %arg10[%dma_start3A_71, %dma_start3A_80, %dma_start3A_81] : memref<2x128x128xf32, #tpu.memory_space<vmem>> -> memref<1x128x128xf32, #tpu.memory_space<vmem>>
    %dma_start3A_83 = tpu.memref_squeeze %dma_start3A_82 : memref<1x128x128xf32, #tpu.memory_space<vmem>> -> memref<128x128xf32, #tpu.memory_space<vmem>>
    tpu.enqueue_dma source(%dma_start3A_83 : memref<128x128xf32, #tpu.memory_space<vmem>>) target(%dma_start3A_79 : memref<128x128xf32, #tpu.memory_space<hbm>>) target_semaphore(%arg15 : memref<!tpu.dma_semaphore, #tpu.memory_space<semaphore_mem>>)
    %add3A_84 = arith.constant 79 : i32
    %add3A_85 = arith.addi %mul3A_2, %add3A_84 : i32
    %sub3A_86 = arith.constant 1 : i32
    %sub3A_87 = arith.subi %add3A_85, %sub3A_86 : i32
    %mul3A_88 = arith.constant 128 : i32
    %mul3A_89 = arith.muli %sub3A_87, %mul3A_88 : i32
    %dma_wait3A_90 = arith.constant 0 : i32
    %dma_wait3A_91 = arith.constant 0 : i32
    %dma_wait3A_92 = arith.constant 0 : i32
    %dma_wait3A_93 = tpu.memref_slice %arg9[%dma_wait3A_90, %dma_wait3A_91, %dma_wait3A_92] : memref<2x128x128xf32, #tpu.memory_space<vmem>> -> memref<1x128x128xf32, #tpu.memory_space<vmem>>
    %dma_wait3A_94 = tpu.memref_squeeze %dma_wait3A_93 : memref<1x128x128xf32, #tpu.memory_space<vmem>> -> memref<128x128xf32, #tpu.memory_space<vmem>>
    %dma_wait3A_95 = arith.constant 0 : i32
    %dma_wait3A_96 = tpu.memref_slice %arg5[%mul3A_89, %dma_wait3A_95] : memref<323584x128xf32, #tpu.memory_space<hbm>> -> memref<128x128xf32, #tpu.memory_space<hbm>>
    %dma_wait3A_97 = arith.constant 0 : i32
    %dma_wait3A_98 = tpu.memref_slice %arg5[%mul3A_89, %dma_wait3A_97] : memref<323584x128xf32, #tpu.memory_space<hbm>> -> memref<128x128xf32, #tpu.memory_space<hbm>>
    %dma_wait3A_99 = arith.constant 0 : i32
    %dma_wait3A_100 = arith.constant 0 : i32
    %dma_wait3A_101 = tpu.memref_slice %arg9[%dma_wait3A_90, %dma_wait3A_99, %dma_wait3A_100] : memref<2x128x128xf32, #tpu.memory_space<vmem>> -> memref<1x128x128xf32, #tpu.memory_space<vmem>>
    %dma_wait3A_102 = tpu.memref_squeeze %dma_wait3A_101 : memref<1x128x128xf32, #tpu.memory_space<vmem>> -> memref<128x128xf32, #tpu.memory_space<vmem>>
    tpu.wait_dma2 semaphore(%arg15 : memref<!tpu.dma_semaphore, #tpu.memory_space<semaphore_mem>>) src(%dma_wait3A_102 : memref<128x128xf32, #tpu.memory_space<vmem>>) dst(%dma_wait3A_98 : memref<128x128xf32, #tpu.memory_space<hbm>>)
    %mul3A_103 = arith.constant 128 : i32
    %mul3A_104 = arith.muli %sub3A_87, %mul3A_103 : i32
    %dma_wait3A_105 = arith.constant 0 : i32
    %dma_wait3A_106 = arith.constant 0 : i32
    %dma_wait3A_107 = arith.constant 0 : i32
    %dma_wait3A_108 = tpu.memref_slice %arg10[%dma_wait3A_105, %dma_wait3A_106, %dma_wait3A_107] : memref<2x128x128xf32, #tpu.memory_space<vmem>> -> memref<1x128x128xf32, #tpu.memory_space<vmem>>
    %dma_wait3A_109 = tpu.memref_squeeze %dma_wait3A_108 : memref<1x128x128xf32, #tpu.memory_space<vmem>> -> memref<128x128xf32, #tpu.memory_space<vmem>>
    %dma_wait3A_110 = arith.constant 0 : i32
    %dma_wait3A_111 = tpu.memref_slice %arg6[%mul3A_104, %dma_wait3A_110] : memref<323584x128xf32, #tpu.memory_space<hbm>> -> memref<128x128xf32, #tpu.memory_space<hbm>>
    %dma_wait3A_112 = arith.constant 0 : i32
    %dma_wait3A_113 = tpu.memref_slice %arg6[%mul3A_104, %dma_wait3A_112] : memref<323584x128xf32, #tpu.memory_space<hbm>> -> memref<128x128xf32, #tpu.memory_space<hbm>>
    %dma_wait3A_114 = arith.constant 0 : i32
    %dma_wait3A_115 = arith.constant 0 : i32
    %dma_wait3A_116 = tpu.memref_slice %arg10[%dma_wait3A_105, %dma_wait3A_114, %dma_wait3A_115] : memref<2x128x128xf32, #tpu.memory_space<vmem>> -> memref<1x128x128xf32, #tpu.memory_space<vmem>>
    %dma_wait3A_117 = tpu.memref_squeeze %dma_wait3A_116 : memref<1x128x128xf32, #tpu.memory_space<vmem>> -> memref<128x128xf32, #tpu.memory_space<vmem>>
    tpu.wait_dma2 semaphore(%arg15 : memref<!tpu.dma_semaphore, #tpu.memory_space<semaphore_mem>>) src(%dma_wait3A_117 : memref<128x128xf32, #tpu.memory_space<vmem>>) dst(%dma_wait3A_113 : memref<128x128xf32, #tpu.memory_space<hbm>>)
    %add3A_118 = arith.constant 79 : i32
    %add3A_119 = arith.addi %mul3A_2, %add3A_118 : i32
    %sub3A_120 = arith.constant 2 : i32
    %sub3A_121 = arith.subi %add3A_119, %sub3A_120 : i32
    %mul3A_122 = arith.constant 128 : i32
    %mul3A_123 = arith.muli %sub3A_121, %mul3A_122 : i32
    %dma_wait3A_124 = arith.constant 1 : i32
    %dma_wait3A_125 = arith.constant 0 : i32
    %dma_wait3A_126 = arith.constant 0 : i32
    %dma_wait3A_127 = tpu.memref_slice %arg9[%dma_wait3A_124, %dma_wait3A_125, %dma_wait3A_126] : memref<2x128x128xf32, #tpu.memory_space<vmem>> -> memref<1x128x128xf32, #tpu.memory_space<vmem>>
    %dma_wait3A_128 = tpu.memref_squeeze %dma_wait3A_127 : memref<1x128x128xf32, #tpu.memory_space<vmem>> -> memref<128x128xf32, #tpu.memory_space<vmem>>
    %dma_wait3A_129 = arith.constant 0 : i32
    %dma_wait3A_130 = tpu.memref_slice %arg5[%mul3A_123, %dma_wait3A_129] : memref<323584x128xf32, #tpu.memory_space<hbm>> -> memref<128x128xf32, #tpu.memory_space<hbm>>
    %dma_wait3A_131 = arith.constant 0 : i32
    %dma_wait3A_132 = tpu.memref_slice %arg5[%mul3A_123, %dma_wait3A_131] : memref<323584x128xf32, #tpu.memory_space<hbm>> -> memref<128x128xf32, #tpu.memory_space<hbm>>
    %dma_wait3A_133 = arith.constant 0 : i32
    %dma_wait3A_134 = arith.constant 0 : i32
    %dma_wait3A_135 = tpu.memref_slice %arg9[%dma_wait3A_124, %dma_wait3A_133, %dma_wait3A_134] : memref<2x128x128xf32, #tpu.memory_space<vmem>> -> memref<1x128x128xf32, #tpu.memory_space<vmem>>
    %dma_wait3A_136 = tpu.memref_squeeze %dma_wait3A_135 : memref<1x128x128xf32, #tpu.memory_space<vmem>> -> memref<128x128xf32, #tpu.memory_space<vmem>>
    tpu.wait_dma2 semaphore(%arg16 : memref<!tpu.dma_semaphore, #tpu.memory_space<semaphore_mem>>) src(%dma_wait3A_136 : memref<128x128xf32, #tpu.memory_space<vmem>>) dst(%dma_wait3A_132 : memref<128x128xf32, #tpu.memory_space<hbm>>)
    %mul3A_137 = arith.constant 128 : i32
    %mul3A_138 = arith.muli %sub3A_121, %mul3A_137 : i32
    %dma_wait3A_139 = arith.constant 1 : i32
    %dma_wait3A_140 = arith.constant 0 : i32
    %dma_wait3A_141 = arith.constant 0 : i32
    %dma_wait3A_142 = tpu.memref_slice %arg10[%dma_wait3A_139, %dma_wait3A_140, %dma_wait3A_141] : memref<2x128x128xf32, #tpu.memory_space<vmem>> -> memref<1x128x128xf32, #tpu.memory_space<vmem>>
    %dma_wait3A_143 = tpu.memref_squeeze %dma_wait3A_142 : memref<1x128x128xf32, #tpu.memory_space<vmem>> -> memref<128x128xf32, #tpu.memory_space<vmem>>
    %dma_wait3A_144 = arith.constant 0 : i32
    %dma_wait3A_145 = tpu.memref_slice %arg6[%mul3A_138, %dma_wait3A_144] : memref<323584x128xf32, #tpu.memory_space<hbm>> -> memref<128x128xf32, #tpu.memory_space<hbm>>
    %dma_wait3A_146 = arith.constant 0 : i32
    %dma_wait3A_147 = tpu.memref_slice %arg6[%mul3A_138, %dma_wait3A_146] : memref<323584x128xf32, #tpu.memory_space<hbm>> -> memref<128x128xf32, #tpu.memory_space<hbm>>
    %dma_wait3A_148 = arith.constant 0 : i32
    %dma_wait3A_149 = arith.constant 0 : i32
    %dma_wait3A_150 = tpu.memref_slice %arg10[%dma_wait3A_139, %dma_wait3A_148, %dma_wait3A_149] : memref<2x128x128xf32, #tpu.memory_space<vmem>> -> memref<1x128x128xf32, #tpu.memory_space<vmem>>
    %dma_wait3A_151 = tpu.memref_squeeze %dma_wait3A_150 : memref<1x128x128xf32, #tpu.memory_space<vmem>> -> memref<128x128xf32, #tpu.memory_space<vmem>>
    tpu.wait_dma2 semaphore(%arg16 : memref<!tpu.dma_semaphore, #tpu.memory_space<semaphore_mem>>) src(%dma_wait3A_151 : memref<128x128xf32, #tpu.memory_space<vmem>>) dst(%dma_wait3A_147 : memref<128x128xf32, #tpu.memory_space<hbm>>)
    return
  }
}

module attributes {stable_mosaic.version = 14 : i64} {
  func.func @_k1_body(%arg0: i32, %arg1: memref<1000x128xf32, #tpu.memory_space<vmem>>, %arg2: memref<1000x768xf32, #tpu.memory_space<vmem>>, %arg3: memref<1000x5xf32, #tpu.memory_space<vmem>>, %arg4: memref<1000x3xf32, #tpu.memory_space<vmem>>, %arg5: memref<128x128xf32, #tpu.memory_space<vmem>>, %arg6: memref<1x128xf32, #tpu.memory_space<vmem>>, %arg7: memref<768x128xf32, #tpu.memory_space<vmem>>, %arg8: memref<1x128xf32, #tpu.memory_space<vmem>>, %arg9: memref<5x128xf32, #tpu.memory_space<vmem>>, %arg10: memref<1x128xf32, #tpu.memory_space<vmem>>, %arg11: memref<3x128xf32, #tpu.memory_space<vmem>>, %arg12: memref<1x128xf32, #tpu.memory_space<vmem>>, %arg13: memref<512x128xf32, #tpu.memory_space<vmem>>, %arg14: memref<1x128xf32, #tpu.memory_space<vmem>>, %arg15: memref<1000x128xf32, #tpu.memory_space<vmem>>) attributes {dimension_semantics = [#tpu.dimension_semantics<parallel>], iteration_bounds = array<i64: 10>, scalar_prefetch = 0 : i64, scratch_operands = 0 : i64, tpu.core_type = #tpu.core_type<tc>, window_params = [{transform_indices = @transform_0, window_bounds = array<i64: 1000, 128>}, {transform_indices = @transform_1, window_bounds = array<i64: 1000, 768>}, {transform_indices = @transform_2, window_bounds = array<i64: 1000, 5>}, {transform_indices = @transform_3, window_bounds = array<i64: 1000, 3>}, {pipeline_mode = #tpu.pipeline_mode<synchronous>, transform_indices = @transform_4, window_bounds = array<i64: 128, 128>}, {pipeline_mode = #tpu.pipeline_mode<synchronous>, transform_indices = @transform_5, window_bounds = array<i64: 1, 128>}, {pipeline_mode = #tpu.pipeline_mode<synchronous>, transform_indices = @transform_6, window_bounds = array<i64: 768, 128>}, {pipeline_mode = #tpu.pipeline_mode<synchronous>, transform_indices = @transform_7, window_bounds = array<i64: 1, 128>}, {pipeline_mode = #tpu.pipeline_mode<synchronous>, transform_indices = @transform_8, window_bounds = array<i64: 5, 128>}, {pipeline_mode = #tpu.pipeline_mode<synchronous>, transform_indices = @transform_9, window_bounds = array<i64: 1, 128>}, {pipeline_mode = #tpu.pipeline_mode<synchronous>, transform_indices = @transform_10, window_bounds = array<i64: 3, 128>}, {pipeline_mode = #tpu.pipeline_mode<synchronous>, transform_indices = @transform_11, window_bounds = array<i64: 1, 128>}, {pipeline_mode = #tpu.pipeline_mode<synchronous>, transform_indices = @transform_12, window_bounds = array<i64: 512, 128>}, {pipeline_mode = #tpu.pipeline_mode<synchronous>, transform_indices = @transform_13, window_bounds = array<i64: 1, 128>}, {transform_indices = @transform_14, window_bounds = array<i64: 1000, 128>}]} {
    %get3A = arith.constant 0 : index
    %get3A_0 = arith.constant 0 : index
    %get3A_1 = vector.load %arg1[%get3A, %get3A_0] : memref<1000x128xf32, #tpu.memory_space<vmem>>, vector<1000x128xf32>
    %get3A_2 = arith.constant 0 : index
    %get3A_3 = arith.constant 0 : index
    %get3A_4 = vector.load %arg5[%get3A_2, %get3A_3] : memref<128x128xf32, #tpu.memory_space<vmem>>, vector<128x128xf32>
    %dot_general3A = arith.constant dense<0.000000e+00> : vector<1000x128xf32>
    %dot_general3A_5 = tpu.matmul %get3A_1, %get3A_4, %dot_general3A {dimension_numbers = #tpu.dot_dimension_numbers<[1], [0], [0], [1], [0, 0, 1, 1], [], []>, transpose_lhs_hint = false} : vector<1000x128xf32>, vector<128x128xf32>, vector<1000x128xf32> -> vector<1000x128xf32>
    %get3A_6 = arith.constant 0 : index
    %get3A_7 = arith.constant 0 : index
    %get3A_8 = vector.load %arg6[%get3A_6, %get3A_7] : memref<1x128xf32, #tpu.memory_space<vmem>>, vector<1x128xf32>
    %add3A = vector.broadcast %get3A_8 : vector<1x128xf32> to vector<1000x128xf32>
    %add3A_9 = arith.addf %dot_general3A_5, %add3A : vector<1000x128xf32>
    %max3A = arith.constant 0.000000e+00 : f32
    %max3A_10 = vector.broadcast %max3A : f32 to vector<1000x128xf32>
    %max3A_11 = arith.maximumf %add3A_9, %max3A_10 : vector<1000x128xf32>
    %get3A_12 = arith.constant 0 : index
    %get3A_13 = arith.constant 0 : index
    %get3A_14 = vector.load %arg2[%get3A_12, %get3A_13] : memref<1000x768xf32, #tpu.memory_space<vmem>>, vector<1000x768xf32>
    %get3A_15 = arith.constant 0 : index
    %get3A_16 = arith.constant 0 : index
    %get3A_17 = vector.load %arg7[%get3A_15, %get3A_16] : memref<768x128xf32, #tpu.memory_space<vmem>>, vector<768x128xf32>
    %dot_general3A_18 = arith.constant dense<0.000000e+00> : vector<1000x128xf32>
    %dot_general3A_19 = tpu.matmul %get3A_14, %get3A_17, %dot_general3A_18 {dimension_numbers = #tpu.dot_dimension_numbers<[1], [0], [0], [1], [0, 0, 1, 1], [], []>, transpose_lhs_hint = false} : vector<1000x768xf32>, vector<768x128xf32>, vector<1000x128xf32> -> vector<1000x128xf32>
    %get3A_20 = arith.constant 0 : index
    %get3A_21 = arith.constant 0 : index
    %get3A_22 = vector.load %arg8[%get3A_20, %get3A_21] : memref<1x128xf32, #tpu.memory_space<vmem>>, vector<1x128xf32>
    %add3A_23 = vector.broadcast %get3A_22 : vector<1x128xf32> to vector<1000x128xf32>
    %add3A_24 = arith.addf %dot_general3A_19, %add3A_23 : vector<1000x128xf32>
    %max3A_25 = arith.constant 0.000000e+00 : f32
    %max3A_26 = vector.broadcast %max3A_25 : f32 to vector<1000x128xf32>
    %max3A_27 = arith.maximumf %add3A_24, %max3A_26 : vector<1000x128xf32>
    %get3A_28 = arith.constant 0 : index
    %get3A_29 = arith.constant 0 : index
    %get3A_30 = vector.load %arg3[%get3A_28, %get3A_29] : memref<1000x5xf32, #tpu.memory_space<vmem>>, vector<1000x5xf32>
    %get3A_31 = arith.constant 0 : index
    %get3A_32 = arith.constant 0 : index
    %get3A_33 = vector.load %arg9[%get3A_31, %get3A_32] : memref<5x128xf32, #tpu.memory_space<vmem>>, vector<5x128xf32>
    %dot_general3A_34 = arith.constant dense<0.000000e+00> : vector<1000x128xf32>
    %dot_general3A_35 = tpu.matmul %get3A_30, %get3A_33, %dot_general3A_34 {dimension_numbers = #tpu.dot_dimension_numbers<[1], [0], [0], [1], [0, 0, 1, 1], [], []>, transpose_lhs_hint = false} : vector<1000x5xf32>, vector<5x128xf32>, vector<1000x128xf32> -> vector<1000x128xf32>
    %get3A_36 = arith.constant 0 : index
    %get3A_37 = arith.constant 0 : index
    %get3A_38 = vector.load %arg10[%get3A_36, %get3A_37] : memref<1x128xf32, #tpu.memory_space<vmem>>, vector<1x128xf32>
    %add3A_39 = vector.broadcast %get3A_38 : vector<1x128xf32> to vector<1000x128xf32>
    %add3A_40 = arith.addf %dot_general3A_35, %add3A_39 : vector<1000x128xf32>
    %max3A_41 = arith.constant 0.000000e+00 : f32
    %max3A_42 = vector.broadcast %max3A_41 : f32 to vector<1000x128xf32>
    %max3A_43 = arith.maximumf %add3A_40, %max3A_42 : vector<1000x128xf32>
    %get3A_44 = arith.constant 0 : index
    %get3A_45 = arith.constant 0 : index
    %get3A_46 = vector.load %arg4[%get3A_44, %get3A_45] : memref<1000x3xf32, #tpu.memory_space<vmem>>, vector<1000x3xf32>
    %get3A_47 = arith.constant 0 : index
    %get3A_48 = arith.constant 0 : index
    %get3A_49 = vector.load %arg11[%get3A_47, %get3A_48] : memref<3x128xf32, #tpu.memory_space<vmem>>, vector<3x128xf32>
    %dot_general3A_50 = arith.constant dense<0.000000e+00> : vector<1000x128xf32>
    %dot_general3A_51 = tpu.matmul %get3A_46, %get3A_49, %dot_general3A_50 {dimension_numbers = #tpu.dot_dimension_numbers<[1], [0], [0], [1], [0, 0, 1, 1], [], []>, transpose_lhs_hint = false} : vector<1000x3xf32>, vector<3x128xf32>, vector<1000x128xf32> -> vector<1000x128xf32>
    %get3A_52 = arith.constant 0 : index
    %get3A_53 = arith.constant 0 : index
    %get3A_54 = vector.load %arg12[%get3A_52, %get3A_53] : memref<1x128xf32, #tpu.memory_space<vmem>>, vector<1x128xf32>
    %add3A_55 = vector.broadcast %get3A_54 : vector<1x128xf32> to vector<1000x128xf32>
    %add3A_56 = arith.addf %dot_general3A_51, %add3A_55 : vector<1000x128xf32>
    %max3A_57 = arith.constant 0.000000e+00 : f32
    %max3A_58 = vector.broadcast %max3A_57 : f32 to vector<1000x128xf32>
    %max3A_59 = arith.maximumf %add3A_56, %max3A_58 : vector<1000x128xf32>
    %concatenate3A = tpu.concatenate %max3A_11, %max3A_27, %max3A_43, %max3A_59 in 1 : vector<1000x128xf32>, vector<1000x128xf32>, vector<1000x128xf32>, vector<1000x128xf32> -> vector<1000x512xf32>
    %get3A_60 = arith.constant 0 : index
    %get3A_61 = arith.constant 0 : index
    %get3A_62 = vector.load %arg13[%get3A_60, %get3A_61] : memref<512x128xf32, #tpu.memory_space<vmem>>, vector<512x128xf32>
    %dot_general3A_63 = arith.constant dense<0.000000e+00> : vector<1000x128xf32>
    %dot_general3A_64 = tpu.matmul %concatenate3A, %get3A_62, %dot_general3A_63 {dimension_numbers = #tpu.dot_dimension_numbers<[1], [0], [0], [1], [0, 0, 1, 1], [], []>, transpose_lhs_hint = false} : vector<1000x512xf32>, vector<512x128xf32>, vector<1000x128xf32> -> vector<1000x128xf32>
    %get3A_65 = arith.constant 0 : index
    %get3A_66 = arith.constant 0 : index
    %get3A_67 = vector.load %arg14[%get3A_65, %get3A_66] : memref<1x128xf32, #tpu.memory_space<vmem>>, vector<1x128xf32>
    %add3A_68 = vector.broadcast %get3A_67 : vector<1x128xf32> to vector<1000x128xf32>
    %add3A_69 = arith.addf %dot_general3A_64, %add3A_68 : vector<1000x128xf32>
    %max3A_70 = arith.constant 0.000000e+00 : f32
    %max3A_71 = vector.broadcast %max3A_70 : f32 to vector<1000x128xf32>
    %max3A_72 = arith.maximumf %add3A_69, %max3A_71 : vector<1000x128xf32>
    %swap3A = arith.constant 0 : index
    %swap3A_73 = arith.constant 0 : index
    %swap3A_74 = vector.load %arg15[%swap3A, %swap3A_73] : memref<1000x128xf32, #tpu.memory_space<vmem>>, vector<1000x128xf32>
    tpu.vector_store %arg15[%swap3A, %swap3A_73], %max3A_72 {strides = array<i32>} : memref<1000x128xf32, #tpu.memory_space<vmem>>, vector<1000x128xf32>,
    return
  }
  func.func @transform_0(%arg0: i32) -> (i32, i32) {
    %c0_i32 = arith.constant 0 : i32
    %c0_i32_0 = arith.constant 0 : i32
    return %arg0, %c0_i32 : i32, i32
  }
  func.func @transform_1(%arg0: i32) -> (i32, i32) {
    %c0_i32 = arith.constant 0 : i32
    %c0_i32_0 = arith.constant 0 : i32
    return %arg0, %c0_i32 : i32, i32
  }
  func.func @transform_2(%arg0: i32) -> (i32, i32) {
    %c0_i32 = arith.constant 0 : i32
    %c0_i32_0 = arith.constant 0 : i32
    return %arg0, %c0_i32 : i32, i32
  }
  func.func @transform_3(%arg0: i32) -> (i32, i32) {
    %c0_i32 = arith.constant 0 : i32
    %c0_i32_0 = arith.constant 0 : i32
    return %arg0, %c0_i32 : i32, i32
  }
  func.func @transform_4(%arg0: i32) -> (i32, i32) {
    %c0_i32 = arith.constant 0 : i32
    %c0_i32_0 = arith.constant 0 : i32
    %c0_i32_1 = arith.constant 0 : i32
    return %c0_i32, %c0_i32_0 : i32, i32
  }
  func.func @transform_5(%arg0: i32) -> (i32, i32) {
    %c0_i32 = arith.constant 0 : i32
    %c0_i32_0 = arith.constant 0 : i32
    %c0_i32_1 = arith.constant 0 : i32
    return %c0_i32, %c0_i32_0 : i32, i32
  }
  func.func @transform_6(%arg0: i32) -> (i32, i32) {
    %c0_i32 = arith.constant 0 : i32
    %c0_i32_0 = arith.constant 0 : i32
    %c0_i32_1 = arith.constant 0 : i32
    return %c0_i32, %c0_i32_0 : i32, i32
  }
  func.func @transform_7(%arg0: i32) -> (i32, i32) {
    %c0_i32 = arith.constant 0 : i32
    %c0_i32_0 = arith.constant 0 : i32
    %c0_i32_1 = arith.constant 0 : i32
    return %c0_i32, %c0_i32_0 : i32, i32
  }
  func.func @transform_8(%arg0: i32) -> (i32, i32) {
    %c0_i32 = arith.constant 0 : i32
    %c0_i32_0 = arith.constant 0 : i32
    %c0_i32_1 = arith.constant 0 : i32
    return %c0_i32, %c0_i32_0 : i32, i32
  }
  func.func @transform_9(%arg0: i32) -> (i32, i32) {
    %c0_i32 = arith.constant 0 : i32
    %c0_i32_0 = arith.constant 0 : i32
    %c0_i32_1 = arith.constant 0 : i32
    return %c0_i32, %c0_i32_0 : i32, i32
  }
  func.func @transform_10(%arg0: i32) -> (i32, i32) {
    %c0_i32 = arith.constant 0 : i32
    %c0_i32_0 = arith.constant 0 : i32
    %c0_i32_1 = arith.constant 0 : i32
    return %c0_i32, %c0_i32_0 : i32, i32
  }
  func.func @transform_11(%arg0: i32) -> (i32, i32) {
    %c0_i32 = arith.constant 0 : i32
    %c0_i32_0 = arith.constant 0 : i32
    %c0_i32_1 = arith.constant 0 : i32
    return %c0_i32, %c0_i32_0 : i32, i32
  }
  func.func @transform_12(%arg0: i32) -> (i32, i32) {
    %c0_i32 = arith.constant 0 : i32
    %c0_i32_0 = arith.constant 0 : i32
    %c0_i32_1 = arith.constant 0 : i32
    return %c0_i32, %c0_i32_0 : i32, i32
  }
  func.func @transform_13(%arg0: i32) -> (i32, i32) {
    %c0_i32 = arith.constant 0 : i32
    %c0_i32_0 = arith.constant 0 : i32
    %c0_i32_1 = arith.constant 0 : i32
    return %c0_i32, %c0_i32_0 : i32, i32
  }
  func.func @transform_14(%arg0: i32) -> (i32, i32) {
    %c0_i32 = arith.constant 0 : i32
    %c0_i32_0 = arith.constant 0 : i32
    return %arg0, %c0_i32 : i32, i32
  }
}

module attributes {stable_mosaic.version = 14 : i64} {
  func.func @_k3_body(%arg0: i32, %arg1: memref<4096x128xf32, #tpu.memory_space<vmem>>, %arg2: memref<4096x128xf32, #tpu.memory_space<vmem>>, %arg3: memref<4096x1xi32, #tpu.memory_space<vmem>>, %arg4: memref<3x256xf32, #tpu.memory_space<vmem>>, %arg5: memref<256x64xf32, #tpu.memory_space<vmem>>, %arg6: memref<1x64xf32, #tpu.memory_space<vmem>>, %arg7: memref<64x1xf32, #tpu.memory_space<vmem>>, %arg8: memref<1x1xf32, #tpu.memory_space<vmem>>, %arg9: memref<4096x1xf32, #tpu.memory_space<vmem>>) attributes {dimension_semantics = [#tpu.dimension_semantics<parallel>], iteration_bounds = array<i64: 79>, scalar_prefetch = 0 : i64, scratch_operands = 0 : i64, tpu.core_type = #tpu.core_type<tc>, window_params = [{transform_indices = @transform_0, window_bounds = array<i64: 4096, 128>}, {transform_indices = @transform_1, window_bounds = array<i64: 4096, 128>}, {transform_indices = @transform_2, window_bounds = array<i64: 4096, 1>}, {pipeline_mode = #tpu.pipeline_mode<synchronous>, transform_indices = @transform_3, window_bounds = array<i64: 3, 256>}, {pipeline_mode = #tpu.pipeline_mode<synchronous>, transform_indices = @transform_4, window_bounds = array<i64: 256, 64>}, {pipeline_mode = #tpu.pipeline_mode<synchronous>, transform_indices = @transform_5, window_bounds = array<i64: 1, 64>}, {pipeline_mode = #tpu.pipeline_mode<synchronous>, transform_indices = @transform_6, window_bounds = array<i64: 64, 1>}, {pipeline_mode = #tpu.pipeline_mode<synchronous>, transform_indices = @transform_7, window_bounds = array<i64: 1, 1>}, {transform_indices = @transform_8, window_bounds = array<i64: 4096, 1>}]} {
    %get3A = arith.constant 0 : index
    %get3A_0 = arith.constant 0 : index
    %get3A_1 = vector.load %arg1[%get3A, %get3A_0] : memref<4096x128xf32, #tpu.memory_space<vmem>>, vector<4096x128xf32>
    %get3A_2 = arith.constant 0 : index
    %get3A_3 = arith.constant 0 : index
    %get3A_4 = vector.load %arg2[%get3A_2, %get3A_3] : memref<4096x128xf32, #tpu.memory_space<vmem>>, vector<4096x128xf32>
    %concatenate3A = tpu.concatenate %get3A_1, %get3A_4 in 1 : vector<4096x128xf32>, vector<4096x128xf32> -> vector<4096x256xf32>
    %get3A_5 = arith.constant 0 : index
    %get3A_6 = arith.constant 0 : index
    %get3A_7 = vector.load %arg3[%get3A_5, %get3A_6] : memref<4096x1xi32, #tpu.memory_space<vmem>>, vector<4096x1xi32>
    %eq3A = arith.constant 0 : i32
    %eq3A_8 = vector.broadcast %eq3A : i32 to vector<4096x1xi32>
    %eq3A_9 = arith.cmpi eq, %get3A_7, %eq3A_8 : vector<4096x1xi32>
    %get3A_10 = arith.constant 0 : index
    %get3A_11 = arith.constant 0 : index
    %get3A_12 = vector.load %arg4[%get3A_10, %get3A_11] : memref<3x256xf32, #tpu.memory_space<vmem>>, vector<1x256xf32>
    %get3A_13 = vector.shape_cast %get3A_12 : vector<1x256xf32> to vector<256xf32>
    %broadcast_in_dim3A = vector.shape_cast %get3A_13 : vector<256xf32> to vector<1x256xf32>
    %eq3A_14 = arith.constant 1 : i32
    %eq3A_15 = vector.broadcast %eq3A_14 : i32 to vector<4096x1xi32>
    %eq3A_16 = arith.cmpi eq, %get3A_7, %eq3A_15 : vector<4096x1xi32>
    %get3A_17 = arith.constant 1 : index
    %get3A_18 = arith.constant 0 : index
    %get3A_19 = vector.load %arg4[%get3A_17, %get3A_18] : memref<3x256xf32, #tpu.memory_space<vmem>>, vector<1x256xf32>
    %get3A_20 = vector.shape_cast %get3A_19 : vector<1x256xf32> to vector<256xf32>
    %broadcast_in_dim3A_21 = vector.shape_cast %get3A_20 : vector<256xf32> to vector<1x256xf32>
    %get3A_22 = arith.constant 2 : index
    %get3A_23 = arith.constant 0 : index
    %get3A_24 = vector.load %arg4[%get3A_22, %get3A_23] : memref<3x256xf32, #tpu.memory_space<vmem>>, vector<1x256xf32>
    %get3A_25 = vector.shape_cast %get3A_24 : vector<1x256xf32> to vector<256xf32>
    %broadcast_in_dim3A_26 = vector.shape_cast %get3A_25 : vector<256xf32> to vector<1x256xf32>
    %broadcast_in_dim3A_27 = vector.shape_cast %eq3A_16 : vector<4096x1xi1> to vector<4096x1xi1>
    %broadcast_in_dim3A_28 = vector.broadcast %broadcast_in_dim3A_27 : vector<4096x1xi1> to vector<4096x256xi1>
    %broadcast_in_dim3A_29 = vector.shape_cast %broadcast_in_dim3A_21 : vector<1x256xf32> to vector<1x256xf32>
    %broadcast_in_dim3A_30 = vector.broadcast %broadcast_in_dim3A_29 : vector<1x256xf32> to vector<4096x256xf32>
    %broadcast_in_dim3A_31 = vector.shape_cast %broadcast_in_dim3A_26 : vector<1x256xf32> to vector<1x256xf32>
    %broadcast_in_dim3A_32 = vector.broadcast %broadcast_in_dim3A_31 : vector<1x256xf32> to vector<4096x256xf32>
    %select_n3A = arith.select %broadcast_in_dim3A_28, %broadcast_in_dim3A_30, %broadcast_in_dim3A_32 : vector<4096x256xi1>, vector<4096x256xf32>
    %broadcast_in_dim3A_33 = vector.shape_cast %eq3A_9 : vector<4096x1xi1> to vector<4096x1xi1>
    %broadcast_in_dim3A_34 = vector.broadcast %broadcast_in_dim3A_33 : vector<4096x1xi1> to vector<4096x256xi1>
    %broadcast_in_dim3A_35 = vector.shape_cast %broadcast_in_dim3A : vector<1x256xf32> to vector<1x256xf32>
    %broadcast_in_dim3A_36 = vector.broadcast %broadcast_in_dim3A_35 : vector<1x256xf32> to vector<4096x256xf32>
    %select_n3A_37 = arith.select %broadcast_in_dim3A_34, %broadcast_in_dim3A_36, %select_n3A : vector<4096x256xi1>, vector<4096x256xf32>
    %add3A = arith.addf %concatenate3A, %select_n3A_37 : vector<4096x256xf32>
    %max3A = arith.constant 0.000000e+00 : f32
    %max3A_38 = vector.broadcast %max3A : f32 to vector<4096x256xf32>
    %max3A_39 = arith.maximumf %add3A, %max3A_38 : vector<4096x256xf32>
    %get3A_40 = arith.constant 0 : index
    %get3A_41 = arith.constant 0 : index
    %get3A_42 = vector.load %arg5[%get3A_40, %get3A_41] : memref<256x64xf32, #tpu.memory_space<vmem>>, vector<256x64xf32>
    %dot_general3A = arith.constant dense<0.000000e+00> : vector<4096x64xf32>
    %dot_general3A_43 = tpu.matmul %max3A_39, %get3A_42, %dot_general3A {dimension_numbers = #tpu.dot_dimension_numbers<[1], [0], [0], [1], [0, 0, 1, 1], [], []>, transpose_lhs_hint = false} : vector<4096x256xf32>, vector<256x64xf32>, vector<4096x64xf32> -> vector<4096x64xf32>
    %get3A_44 = arith.constant 0 : index
    %get3A_45 = arith.constant 0 : index
    %get3A_46 = vector.load %arg6[%get3A_44, %get3A_45] : memref<1x64xf32, #tpu.memory_space<vmem>>, vector<1x64xf32>
    %add3A_47 = vector.broadcast %get3A_46 : vector<1x64xf32> to vector<4096x64xf32>
    %add3A_48 = arith.addf %dot_general3A_43, %add3A_47 : vector<4096x64xf32>
    %max3A_49 = arith.constant 0.000000e+00 : f32
    %max3A_50 = vector.broadcast %max3A_49 : f32 to vector<4096x64xf32>
    %max3A_51 = arith.maximumf %add3A_48, %max3A_50 : vector<4096x64xf32>
    %get3A_52 = arith.constant 0 : index
    %get3A_53 = arith.constant 0 : index
    %get3A_54 = vector.load %arg7[%get3A_52, %get3A_53] : memref<64x1xf32, #tpu.memory_space<vmem>>, vector<64x1xf32>
    %dot_general3A_55 = arith.constant dense<0.000000e+00> : vector<4096x1xf32>
    %dot_general3A_56 = tpu.matmul %max3A_51, %get3A_54, %dot_general3A_55 {dimension_numbers = #tpu.dot_dimension_numbers<[1], [0], [0], [1], [0, 0, 1, 1], [], []>, transpose_lhs_hint = false} : vector<4096x64xf32>, vector<64x1xf32>, vector<4096x1xf32> -> vector<4096x1xf32>
    %get3A_57 = arith.constant 0 : index
    %get3A_58 = arith.constant 0 : index
    %get3A_59 = vector.load %arg8[%get3A_57, %get3A_58] : memref<1x1xf32, #tpu.memory_space<vmem>>, vector<1x1xf32>
    %get3A_60 = vector.extract %get3A_59[0, 0] : f32 from vector<1x1xf32>
    %add3A_61 = vector.broadcast %get3A_60 : f32 to vector<4096x1xf32>
    %add3A_62 = arith.addf %dot_general3A_56, %add3A_61 : vector<4096x1xf32>
    %swap3A = arith.constant 0 : index
    %swap3A_63 = arith.constant 0 : index
    %swap3A_64 = vector.load %arg9[%swap3A, %swap3A_63] : memref<4096x1xf32, #tpu.memory_space<vmem>>, vector<4096x1xf32>
    tpu.vector_store %arg9[%swap3A, %swap3A_63], %add3A_62 {strides = array<i32>} : memref<4096x1xf32, #tpu.memory_space<vmem>>, vector<4096x1xf32>,
    return
  }
  func.func @transform_0(%arg0: i32) -> (i32, i32) {
    %c0_i32 = arith.constant 0 : i32
    %c0_i32_0 = arith.constant 0 : i32
    return %arg0, %c0_i32 : i32, i32
  }
  func.func @transform_1(%arg0: i32) -> (i32, i32) {
    %c0_i32 = arith.constant 0 : i32
    %c0_i32_0 = arith.constant 0 : i32
    return %arg0, %c0_i32 : i32, i32
  }
  func.func @transform_2(%arg0: i32) -> (i32, i32) {
    %c0_i32 = arith.constant 0 : i32
    %c0_i32_0 = arith.constant 0 : i32
    return %arg0, %c0_i32 : i32, i32
  }
  func.func @transform_3(%arg0: i32) -> (i32, i32) {
    %c0_i32 = arith.constant 0 : i32
    %c0_i32_0 = arith.constant 0 : i32
    %c0_i32_1 = arith.constant 0 : i32
    return %c0_i32, %c0_i32_0 : i32, i32
  }
  func.func @transform_4(%arg0: i32) -> (i32, i32) {
    %c0_i32 = arith.constant 0 : i32
    %c0_i32_0 = arith.constant 0 : i32
    %c0_i32_1 = arith.constant 0 : i32
    return %c0_i32, %c0_i32_0 : i32, i32
  }
  func.func @transform_5(%arg0: i32) -> (i32, i32) {
    %c0_i32 = arith.constant 0 : i32
    %c0_i32_0 = arith.constant 0 : i32
    %c0_i32_1 = arith.constant 0 : i32
    return %c0_i32, %c0_i32_0 : i32, i32
  }
  func.func @transform_6(%arg0: i32) -> (i32, i32) {
    %c0_i32 = arith.constant 0 : i32
    %c0_i32_0 = arith.constant 0 : i32
    %c0_i32_1 = arith.constant 0 : i32
    return %c0_i32, %c0_i32_0 : i32, i32
  }
  func.func @transform_7(%arg0: i32) -> (i32, i32) {
    %c0_i32 = arith.constant 0 : i32
    %c0_i32_0 = arith.constant 0 : i32
    %c0_i32_1 = arith.constant 0 : i32
    return %c0_i32, %c0_i32_0 : i32, i32
  }
  func.func @transform_8(%arg0: i32) -> (i32, i32) {
    %c0_i32 = arith.constant 0 : i32
    %c0_i32_0 = arith.constant 0 : i32
    return %arg0, %c0_i32 : i32, i32
  }
}

module attributes {stable_mosaic.version = 14 : i64} {
  func.func @_k5_body(%arg0: i32, %arg1: memref<1000x128xf32, #tpu.memory_space<vmem>>, %arg2: memref<1000x128xf32, #tpu.memory_space<vmem>>, %arg3: memref<1000x1xf32, #tpu.memory_space<vmem>>, %arg4: memref<1000x128xf32, #tpu.memory_space<vmem>>, %arg5: memref<128x2xf32, #tpu.memory_space<vmem>>, %arg6: memref<1x2xf32, #tpu.memory_space<vmem>>, %arg7: memref<1000x2xf32, #tpu.memory_space<vmem>>) attributes {dimension_semantics = [#tpu.dimension_semantics<parallel>], iteration_bounds = array<i64: 10>, scalar_prefetch = 0 : i64, scratch_operands = 0 : i64, tpu.core_type = #tpu.core_type<tc>, window_params = [{transform_indices = @transform_0, window_bounds = array<i64: 1000, 128>}, {transform_indices = @transform_1, window_bounds = array<i64: 1000, 128>}, {transform_indices = @transform_2, window_bounds = array<i64: 1000, 1>}, {transform_indices = @transform_3, window_bounds = array<i64: 1000, 128>}, {pipeline_mode = #tpu.pipeline_mode<synchronous>, transform_indices = @transform_4, window_bounds = array<i64: 128, 2>}, {pipeline_mode = #tpu.pipeline_mode<synchronous>, transform_indices = @transform_5, window_bounds = array<i64: 1, 2>}, {transform_indices = @transform_6, window_bounds = array<i64: 1000, 2>}]} {
    %get3A = arith.constant 0 : index
    %get3A_0 = arith.constant 0 : index
    %get3A_1 = vector.load %arg1[%get3A, %get3A_0] : memref<1000x128xf32, #tpu.memory_space<vmem>>, vector<1000x128xf32>
    %get3A_2 = arith.constant 0 : index
    %get3A_3 = arith.constant 0 : index
    %get3A_4 = vector.load %arg2[%get3A_2, %get3A_3] : memref<1000x128xf32, #tpu.memory_space<vmem>>, vector<1000x128xf32>
    %add3A = arith.addf %get3A_1, %get3A_4 : vector<1000x128xf32>
    %get3A_5 = arith.constant 0 : index
    %get3A_6 = arith.constant 0 : index
    %get3A_7 = vector.load %arg3[%get3A_5, %get3A_6] : memref<1000x1xf32, #tpu.memory_space<vmem>>, vector<1000x1xf32>
    %max3A = arith.constant 1.000000e+00 : f32
    %max3A_8 = vector.broadcast %max3A : f32 to vector<1000x1xf32>
    %max3A_9 = arith.maximumf %get3A_7, %max3A_8 : vector<1000x1xf32>
    %div3A = vector.broadcast %max3A_9 : vector<1000x1xf32> to vector<1000x128xf32>
    %div3A_10 = arith.divf %add3A, %div3A : vector<1000x128xf32>
    %gt3A = arith.constant 0.000000e+00 : f32
    %gt3A_11 = vector.broadcast %gt3A : f32 to vector<1000x1xf32>
    %gt3A_12 = arith.cmpf ogt, %get3A_7, %gt3A_11 : vector<1000x1xf32>
    %get3A_13 = arith.constant 0 : index
    %get3A_14 = arith.constant 0 : index
    %get3A_15 = vector.load %arg4[%get3A_13, %get3A_14] : memref<1000x128xf32, #tpu.memory_space<vmem>>, vector<1000x128xf32>
    %broadcast_in_dim3A = vector.shape_cast %gt3A_12 : vector<1000x1xi1> to vector<1000x1xi1>
    %broadcast_in_dim3A_16 = vector.broadcast %broadcast_in_dim3A : vector<1000x1xi1> to vector<1000x128xi1>
    %select_n3A = arith.select %broadcast_in_dim3A_16, %div3A_10, %get3A_15 : vector<1000x128xi1>, vector<1000x128xf32>
    %get3A_17 = arith.constant 0 : index
    %get3A_18 = arith.constant 0 : index
    %get3A_19 = vector.load %arg5[%get3A_17, %get3A_18] : memref<128x2xf32, #tpu.memory_space<vmem>>, vector<128x2xf32>
    %dot_general3A = arith.constant dense<0.000000e+00> : vector<1000x2xf32>
    %dot_general3A_20 = tpu.matmul %select_n3A, %get3A_19, %dot_general3A {dimension_numbers = #tpu.dot_dimension_numbers<[1], [0], [0], [1], [0, 0, 1, 1], [], []>, transpose_lhs_hint = false} : vector<1000x128xf32>, vector<128x2xf32>, vector<1000x2xf32> -> vector<1000x2xf32>
    %get3A_21 = arith.constant 0 : index
    %get3A_22 = arith.constant 0 : index
    %get3A_23 = vector.load %arg6[%get3A_21, %get3A_22] : memref<1x2xf32, #tpu.memory_space<vmem>>, vector<1x2xf32>
    %add3A_24 = vector.broadcast %get3A_23 : vector<1x2xf32> to vector<1000x2xf32>
    %add3A_25 = arith.addf %dot_general3A_20, %add3A_24 : vector<1000x2xf32>
    %swap3A = arith.constant 0 : index
    %swap3A_26 = arith.constant 0 : index
    %swap3A_27 = vector.load %arg7[%swap3A, %swap3A_26] : memref<1000x2xf32, #tpu.memory_space<vmem>>, vector<1000x2xf32>
    tpu.vector_store %arg7[%swap3A, %swap3A_26], %add3A_25 {strides = array<i32>} : memref<1000x2xf32, #tpu.memory_space<vmem>>, vector<1000x2xf32>,
    return
  }
  func.func @transform_0(%arg0: i32) -> (i32, i32) {
    %c0_i32 = arith.constant 0 : i32
    %c0_i32_0 = arith.constant 0 : i32
    return %arg0, %c0_i32 : i32, i32
  }
  func.func @transform_1(%arg0: i32) -> (i32, i32) {
    %c0_i32 = arith.constant 0 : i32
    %c0_i32_0 = arith.constant 0 : i32
    return %arg0, %c0_i32 : i32, i32
  }
  func.func @transform_2(%arg0: i32) -> (i32, i32) {
    %c0_i32 = arith.constant 0 : i32
    %c0_i32_0 = arith.constant 0 : i32
    return %arg0, %c0_i32 : i32, i32
  }
  func.func @transform_3(%arg0: i32) -> (i32, i32) {
    %c0_i32 = arith.constant 0 : i32
    %c0_i32_0 = arith.constant 0 : i32
    return %arg0, %c0_i32 : i32, i32
  }
  func.func @transform_4(%arg0: i32) -> (i32, i32) {
    %c0_i32 = arith.constant 0 : i32
    %c0_i32_0 = arith.constant 0 : i32
    %c0_i32_1 = arith.constant 0 : i32
    return %c0_i32, %c0_i32_0 : i32, i32
  }
  func.func @transform_5(%arg0: i32) -> (i32, i32) {
    %c0_i32 = arith.constant 0 : i32
    %c0_i32_0 = arith.constant 0 : i32
    %c0_i32_1 = arith.constant 0 : i32
    return %c0_i32, %c0_i32_0 : i32, i32
  }
  func.func @transform_6(%arg0: i32) -> (i32, i32) {
    %c0_i32 = arith.constant 0 : i32
    %c0_i32_0 = arith.constant 0 : i32
    return %arg0, %c0_i32 : i32, i32
  }
}

</mosaic_0001>

<sc_bundles>
// kernel: kernel.10.cloned.1.call-start
scs
__scs_entry_jumppad:
0x0: {  	(pc) =	sbr.rel $0x88, $3  }
0x1: {  	(tag) =	ssettag $0x0;
	lr =	simm.s32 $0x1  }
0x2: {  	[smem:$0x3F8A] =	sst lr;
	_ =	strace $0xD0000000  }
0x3: {  	_ = 	snop  }
0x4: {  	_ = 	snop  }
0x5: {  	_ = 	snop  }
0x6: {  	_ = 	snop  }
0x7: {  	_ = 	snop  }
__scs_overlays_trampoline_lowered:
0x8: {  	[smem:$0x3F99] =	sst s0  }
0x9: {  	[smem:$0x3F9A] =	sst s1  }
0xa: {  	[smem:$0x3F9B] =	sst s2  }
0xb: {  	[smem:$0x3F9C] =	sst s3  }
0xc: {  	[smem:$0x3F9D] =	sst s4  }
0xd: {  	[smem:$0x3F9E] =	sst s5  }
0xe: {  	[smem:$0x3F9F] =	sst s6  }
0xf: {  	[smem:$0x3FA0] =	sst s7  }
0x10: {  	[smem:$0x3FA1] =	sst s8  }
0x11: {  	[smem:$0x3FA2] =	sst s9;
	s0 =	simm.s32 @!p0 $0x0  }
0x12: {  	s1 =	sld [smem:$0x3F88];
	s0 =	simm.s32 @p0 $0x1  }
0x13: {  	[smem:$0x3FA3] =	sst s0;
	s0 =	simm.s32 @!p1 $0x0  }
0x14: {  	s2 =	sld [smem:$0x3F87];
	s0 =	simm.s32 @p1 $0x1  }
0x15: {  	[smem:$0x3FA4] =	sst s0;
	s0 =	simm.s32 @!p2 $0x0  }
0x16: {  	s3 =	sld [smem:$0x3FDB];
	s0 =	simm.s32 @p2 $0x1  }
0x17: {  	s4 =	simm.s32 $0x1BF5;
	[smem:$0x3FA6] =	sst s0  }
0x18: {  	s0 =	sld [smem:$0x3F89];
	_ =	swait.ge [sflag:s4], $0x0  }
0x19: {  	s7 =	sld [smem:$0x3F8A]  }
0x1a: {  	s8 =	sadd.s32 $0xFFFFE003, lr  }
0x1b: {  	s9 =	sadd.s32 $0xFFFFFEF7, lr;
	s5 =	simm.s32 $0xFFFFFFFF;
	p2 =	slt.u32 s8, $0xFFFFF086  }
0x1c: {  	p1 =	slt.u32 s9, $0xF7A;
	s5 =	simm.s32 @!p2 $0x0  }
0x1d: {  	s5 =	simm.s32 @p1 $0x1;
	p0 =	seq.s32 s7, s2  }
0x1e: {  	s7 =	smul.u32 @!p0 $0xF7A, s2;
	p2 =	seq.s32 @!p0 s5, $0x0  }
0x1f: {  	s9 =	smul.u32 $0xF7A, s1;
	s8 =	simm.s32 @!p0 $0x1BF5;
	p2 =	por !p2, p0  }
0x20: {  	[sflag:s8] =	ssyncset.s32 @!p0 $0xFFFFF086;
	s6 =	sadd.s32 @!p0 s3, s7;
	s7 =	simm.s32 @!p0 $0x108  }
0x21: {  	s3 =	sadd.s32 s3, s9;
	s6 =	sadd.s32 @!p0 $0x88, s6;
	s7 =	simm.s32 @p2 $0x1082  }
0x22: {  	[simem:s7], [sflag:s8] =	dma.local @!p0 [hbm:s6], $0xF7A  }
0x23: {  	s9 =	sor.u32 $0xD0000000, s2;
	s6 =	simm.s32 $0x108;
	_ =	swait.ge @!p0 [sflag:s8], $0x0  }
0x24: {  	s3 =	sadd.s32 $0x88, s3;
	s6 =	simm.s32 @!p1 $0x1082;
	[sflag:s4] =	ssyncset.s32 $0xFFFFF086  }
0x25: {  	[simem:s6], [sflag:s4] =	dma.local [hbm:s3], $0xF7A  }
0x26: {  	[smem:$0x3F8A] =	sst s1;
	(tag) =	ssettag s2;
	_ =	strace s9  }
0x27: {  	s1 =	sld [smem:$0x3F9A]  }
0x28: {  	s2 =	sld [smem:$0x3F9B]  }
0x29: {  	s4 =	sld [smem:$0x3F9D]  }
0x2a: {  	p0 =	seq.s32 s5, $0x0;
	s5 =	sld [smem:$0x3F9E]  }
0x2b: {  	s6 =	sld [smem:$0x3F9F]  }
0x2c: {  	s7 =	sld [smem:$0x3FA0]  }
0x2d: {  	s3 =	simm.s32 $0x108;
	s8 =	sld [smem:$0x3FA1]  }
0x2e: {  	s3 =	simm.s32 @!p0 $0x1082;
	s9 =	sld [smem:$0x3FA2]  }
0x2f: {  	lr =	sadd.s32 s0, s3;
	s0 =	sld [smem:$0x3F99]  }
0x30: {  	s3 =	sld [smem:$0x3F9C]  }
0x31: {  	[smem:$0x3FA5] =	sst s10  }
0x32: {  	s10 =	sld [smem:$0x3FA3];
	_ =	sdelay $0x3  }
0x33: {  	p0 =	seq.s32 s10, $0x1;
	s10 =	sld [smem:$0x3FA5];
	_ =	sdelay $0x3  }
0x34: {  	[smem:$0x3FA5] =	sst s10  }
0x35: {  	s10 =	sld [smem:$0x3FA4];
	_ =	sdelay $0x3  }
0x36: {  	p1 =	seq.s32 s10, $0x1;
	s10 =	sld [smem:$0x3FA5];
	_ =	sdelay $0x3  }
0x37: {  	[smem:$0x3FA5] =	sst s10  }
0x38: {  	s10 =	sld [smem:$0x3FA6]  }
0x39: {  	_ = 	snop;
	(pc) =	sbr.ind lr, $3  }
0x3a: {  	_ = 	snop  }
0x3b: {  	_ = 	snop  }
0x3c: {  	p2 =	seq.s32 s10, $0x1;
	s10 =	sld [smem:$0x3FA5]  }
0x3d: {  	_ =	shalt  }
0x3e: {  	_ =	shalt  }
0x3f: {  	_ =	shalt  }
0x40: {  	_ =	shalt  }
0x41: {  	_ =	shalt  }
0x42: {  	_ =	shalt  }
0x43: {  	_ =	shalt  }
0x44: {  	_ =	shalt  }
0x45: {  	_ =	shalt  }
0x46: {  	_ =	shalt  }
0x47: {  	_ =	shalt  }
0x48: {  	_ =	shalt  }
0x49: {  	_ =	shalt  }
0x4a: {  	_ =	shalt  }
0x4b: {  	_ =	shalt  }
0x4c: {  	_ =	shalt  }
0x4d: {  	_ =	shalt  }
0x4e: {  	_ =	shalt  }
0x4f: {  	_ =	shalt  }
0x50: {  	_ =	shalt  }
0x51: {  	_ =	shalt  }
0x52: {  	_ =	shalt  }
0x53: {  	_ =	shalt  }
0x54: {  	_ =	shalt  }
0x55: {  	_ =	shalt  }
0x56: {  	_ =	shalt  }
0x57: {  	_ =	shalt  }
0x58: {  	_ =	shalt  }
0x59: {  	_ =	shalt  }
0x5a: {  	_ =	shalt  }
0x5b: {  	_ =	shalt  }
0x5c: {  	_ =	shalt  }
0x5d: {  	_ =	shalt  }
0x5e: {  	_ =	shalt  }
0x5f: {  	_ =	shalt  }
0x60: {  	_ =	shalt  }
0x61: {  	_ =	shalt  }
0x62: {  	_ =	shalt  }
0x63: {  	_ =	shalt  }
0x64: {  	_ =	shalt  }
0x65: {  	_ =	shalt  }
0x66: {  	_ =	shalt  }
0x67: {  	_ =	shalt  }
0x68: {  	_ =	shalt  }
0x69: {  	_ =	shalt  }
0x6a: {  	_ =	shalt  }
0x6b: {  	_ =	shalt  }
0x6c: {  	_ =	shalt  }
0x6d: {  	_ =	shalt  }
0x6e: {  	_ =	shalt  }
0x6f: {  	_ =	shalt  }
0x70: {  	_ =	shalt  }
0x71: {  	_ =	shalt  }
0x72: {  	_ =	shalt  }
0x73: {  	_ =	shalt  }
0x74: {  	_ =	shalt  }
0x75: {  	_ =	shalt  }
0x76: {  	_ =	shalt  }
0x77: {  	_ =	shalt  }
0x78: {  	_ =	shalt  }
0x79: {  	_ =	shalt  }
0x7a: {  	_ =	shalt  }
0x7b: {  	_ =	shalt  }
0x7c: {  	_ =	shalt  }
0x7d: {  	_ =	shalt  }
0x7e: {  	_ =	shalt  }
0x7f: {  	_ =	shalt  }
0x80: {  	_ =	shalt  }
0x81: {  	_ =	shalt  }
0x82: {  	_ =	shalt  }
0x83: {  	_ =	shalt  }
0x84: {  	_ =	shalt  }
0x85: {  	_ =	shalt  }
0x86: {  	_ =	shalt  }
0x87: {  	_ =	shalt  }
.Lfunc_end0:
.L_simem_size_0:
called_computation.1_lowered:
.L_overlay_start_0:
0x88: {  	s2 =	sld [smem:$0x3FD9]  }
0x89: {  	s3 =	sld [smem:$0x3FFE];
	_ =	sdelay $0x1  }
0x8a: {  	s1 =	srdreg.scid  }
0x8b: {  	s0 =	sand.u32 $0x1, s1  }
0x8c: {  	s16 =	sshll.u32 s0, $0xA;
	s2 =	sadd.s32 s3, s2  }
0x8d: {  	s2 =	sadd.s32 s2, s16  }
0x8e: {  	[smem:$0x3FB1] =	sst s2  }
0x8f: {  	_ = 	snop  }
0x90: {  	(tm) =	ssettm $0x1  }
0x91: {  	s17 =	sld [smem:$0x3FFB];
	_ =	sdelay $0x3  }
0x92: {  	_ =	strace s17  }
0x93: {  	s2 =	sld [smem:$0x3FFC];
	_ =	sdelay $0x3  }
0x94: {  	_ =	strace s2  }
0x95: {  	s2 =	sld [smem:$0x3FFD];
	_ =	sdelay $0x3  }
0x96: {  	_ =	strace s2  }
0x97: {  	_ =	strace $0x8FFFFFFF  }
0x98: {  	s18 =	sld [smem:$0x3FDB];
	_ =	sdelay $0x1  }
0x99: {  	s19 =	simm.s32 $_scs_section_size  }
0x9a: {  	s4 =	simm.s32 $_size__tile_overlayer_lowered;
	s5 =	simm.s32 $_tile_overlayer_lowered  }
0x9b: {  	s22 =	simm.s32 $0x1BFF;
	s21 =	sshll.u32 s5, $0x1;
	s2 =	sadd.s32 s19, s18  }
0x9c: {  	s6 =	simm.s32 $0x0;
	s20 =	sshll.u32 s4, $0x1;
	s4 =	sadd.s32 s21, s2  }
0x9d: {  	[timem:s6], [sflag:s22] =	dma.local [hbm:s4], s20  }
0x9e: {  	_ =	swait.ge [sflag:s22], s20  }
0x9f: {  	s3 =	ssub.s32 $0x0, s20;
	[sflag:s22] =	ssyncset.done $0x0  }
0xa0: {  	[sflag:s22] =	ssyncadd.s32 s3;
	_ =	sdelay $0x1  }
0xa1: {  	s23 =	simm.s32 $0x1B8B  }
0xa2: {  	_ =	swait.ge [sflag:s23], $0x1  }
0xa3: {  	[sflag:s23] =	ssyncset.done $0x0  }
0xa4: {  	s25 =	simm.s32 $0x1B8E;
	s24 =	sld [smem:$0x3FFE];
	[sflag:s23] =	ssyncadd.s32 $0xFFFFFFFF  }
0xa5: {  	s26 =	simm.s32 $execute0_lowered;
	[smem:$0x3FD2] =	sst s25  }
0xa6: {  	s4 =	sshll.u32 s26, $0x1;
	_ =	strace $0x80000049;
	[dreg:$0x1] =	wrdreg $0xFFFFFFFF  }
0xa7: {  	s28 =	simm.s32 $_size_execute0_lowered;
	s2 =	sadd.s32 s2, s4;
	[dreg:$0x0] =	wrdreg $0x0  }
0xa8: {  	s4 =	sshll.u32 s28, $0x1;
	[dreg:$0x2] =	wrdreg s2  }
0xa9: {  	[dreg:$0x3] =	wrdreg s4  }
0xaa: {  	[dreg:$0x4] =	wrdreg $0xC0  }
0xab: {  	_ =	task [dreg:s6], $0x5FFFF  }
0xac: {  	[dreg:$0x1] =	wrdreg $0xFFFFFFFF  }
0xad: {  	[dreg:$0x0] =	wrdreg $0x60  }
0xae: {  	[dreg:$0x2] =	wrdreg s24  }
0xaf: {  	[dreg:$0x3] =	wrdreg $0xA9000  }
0xb0: {  	[dreg:$0x4] =	wrdreg $0x9  }
0xb1: {  	_ =	task.clear_ibuf [dreg:s6], $0x5FFFF;
	_ =	strace $0x90000049  }
0xb2: {  	s29 =	simm.s32 $0x9;
	_ =	strace $0x8000004B  }
0xb3: {  	_ =	swait.ge [sflag:s29], $0x1  }
0xb4: {  	[sflag:s29] =	ssyncadd.s32 $0xFFFFFFFF  }
0xb5: {  	_ =	strace $0x9000004B  }
0xb6: {  	_ =	sfence  }
0xb7: {  	s30 =	sld [smem:$0x0];
	_ =	sdelay $0x2  }
0xb8: {  	s31 =	sshll.u32 s1, $0xD;
	s1 =	sshrl.u32 s1, $0x2  }
0xb9: {  	s3 =	sand.u32 $0x4000, s31;
	s1 =	sadd.s32 s1, s30  }
0xba: {  	s0 =	sor.u32 s3, s0;
	s1 =	sshll.u32 s1, $0x11  }
0xbb: {  	s0 =	sor.u32 s1, s0  }
0xbc: {  	s0 =	sadd.s32 $0x8F2B, s0  }
0xbd: {  	[sflag:s0] =	ssyncadd.remote.s32 $0x1  }
0xbe: {  	_ =	sfence.sel $0xFFFF  }
0xbf: {  	[dreg:$0x0] =	wrdreg $0xFFFFFFFF;
	(pc) =	sbr.abs _section_cstart, $3  }
0xc0: {  	[dreg:$0x1] =	wrdreg $0xFFFFFFFF  }
0xc1: {  	_ =	task.clear_ibuf [dreg:s6], $0x2FFFF;
	_ =	strace $0x9FFFFFFF  }
0xc2: {  	(tm) =	ssettm $0x7FFFFFFF  }
0xc3: {  	_ =	shalt  }
tec
execute0_lowered:
.L_overlay_start_1:
0x0: {  	(tag) =	ssettag $0x1  }
0x1: {  	s5 =	rddreg [dreg:$0x0]  }
0x2: {  	s2 =	rddreg [dreg:$0x1]  }
0x3: {  	s0 =	rddreg [dreg:$0x2];
	s4 =	srdreg.scid  }
0x4: {  	s1 =	stileid.u32;
	s3 =	simm.s32 $0x0;
	s14 =	sand.u32 $0x1, s4  }
0x5: {  	s26 =	sshll.u32 s1, $0x1;
	[smem:$0x7FF] =	sst s3;
	s16 =	sadd.s32 $0x538600, s5  }
0x6: {  	s4 =	sadd.s32 $0x3A00, s5;
	s17 =	sor.u32 $0x10, s1;
	s28 =	sshll.u32 s1, $0xE  }
0x7: {  	s18 =	sor.u32 $0x20, s1;
	s19 =	sor.u32 $0x30, s1;
	s21 =	smul.u32 $0x4F000, s1  }
0x8: {  	s20 =	sor.u32 $0x40, s1;
	s22 =	smul.u32 $0x4F00, s1;
	s24 =	sshll.u32 s1, $0xB  }
0x9: {  	p0 =	seq.s32 s1, $0xF;
	s15 =	smul.u32 $0x27800, s14;
	s6 =	sor.u32 s14, s26  }
0xa: {  	_ =	strace $0x8000004A;
	s8 =	ssub.s32 $0x2, s14;
	s29 =	sshll.u32 s17, $0xE  }
0xb: {  	s30 =	sshll.u32 s18, $0xE;
	s12 =	sshll.u32 s19, $0xE;
	s14 =	smul.u32 $0x2780, s14  }
0xc: {  	s13 =	sshll.u32 s20, $0xE;
	s25 =	sshll.u32 s17, $0xB;
	s7 =	smul.u32 $0x500, s6  }
0xd: {  	s26 =	sshll.u32 s18, $0xB;
	s17 =	simm.s32 $0x8000;
	s9 =	smul.u32 $0x4F0, s6  }
0xe: {  	s18 =	simm.s32 $0x8100;
	s10 =	sshrl.u32 s8, $0x1;
	s6 =	smul.u32 $0x27800, s6  }
0xf: {  	s12 =	sadd.s32 s12, s2;
	s13 =	sadd.s32 s13, s2;
	s11 =	sadd.s32 s15, s5  }
0x10: {  	s8 =	ssub.s32 s8, s10;
	s10 =	sadd.s32 s29, s2;
	s29 =	sshll.u32 s20, $0xB  }
0x11: {  	s31 =	sadd.s32 s14, s22;
	s7 =	sadd.s32 s7, s5;
	s5 =	sadd.s32 s4, s9  }
0x12: {  	s6 =	sadd.s32 s16, s6;
	s23 =	sadd.s32 $0x48600, s11;
	s8 =	smax.u32 s8, $0x1  }
0x13: {  	s9 =	sadd.s32 s28, s2;
	s11 =	sadd.s32 s30, s2;
	s16 =	sadd.s32 s21, s16  }
0x14: {  	s28 =	sshll.u32 s19, $0xB;
	s7 =	sadd.s32 $0xD800, s7;
	s15 =	sadd.s32 s15, s16  }
0x15: {  	s16 =	simm.s32 $0x3;
	s19 =	sadd.s32 s24, s23;
	s20 =	sadd.s32 s25, s23  }
0x16: {  	s21 =	sadd.s32 s26, s23;
	s22 =	sadd.s32 s28, s23;
	s23 =	sadd.s32 @!p0 s29, s23  }
0x17: {  	v0 =	vimm.f32 $0.0e+00;
	v1 =	vimm.f32 $1.000000000e+00;
	s24 =	simm.s32 $0x0;
	s14 =	sadd.s32 $0x800, s15;
	s15 =	sadd.s32 $0x80, s31  }
.LBB2_1:
0x18: {  	s25 =	simm.s32 $0x70;
	s26 =	simm.s32 $0x3C0  }
.LBB2_2:
0x19: {  	p1 =	sne.s32 s26, $0x9FC0;
	[tilespmem:s25+$0x8100] =	vst v0  }
0x1a: {  	[tilespmem:s25+$0x8090] =	vst v0  }
0x1b: {  	[tilespmem:s25+$0x80A0] =	vst v0  }
.Ltmp0:
0x1c: {  	[tilespmem:s25+$0x80B0] =	vst v0;
	(pc) =	sbr.rel @p1 .LBB2_2-.Ltmp0, $4  }
0x1d: {  	[tilespmem:s25+$0x80C0] =	vst v0  }
0x1e: {  	[tilespmem:s25+$0x80D0] =	vst v0  }
0x1f: {  	[tilespmem:s25+$0x80E0] =	vst v0  }
0x20: {  	[tilespmem:s25+$0x80F0] =	vst v0;
	s25 =	sshra.s32 s26, $0x2;
	s26 =	sadd.s32 $0x200, s26  }
0x21: {  	[tilespmem:s25+$0x8100] =	vst v0  }
0x22: {  	[tilespmem:s25+$0x8090] =	vst v0  }
0x23: {  	[tilespmem:s25+$0x80A0] =	vst v0  }
0x24: {  	[tilespmem:s25+$0x80B0] =	vst v0  }
0x25: {  	[tilespmem:s25+$0x80C0] =	vst v0  }
0x26: {  	[tilespmem:s25+$0x80D0] =	vst v0  }
0x27: {  	[tilespmem:s25+$0x80E0] =	vst v0  }
0x28: {  	[tilespmem:s25+$0x80F0] =	vst v0;
	s25 =	simm.s32 $0x0;
	s26 =	simm.s32 $0x200  }
.LBB2_4:
0x29: {  	p1 =	sne.s32 s26, $0xFE00;
	[tilespmem:s25+$0x70] =	vst v0  }
0x2a: {  	[tilespmem:s25+$0x0] =	vst v0  }
0x2b: {  	[tilespmem:s25+$0x10] =	vst v0  }
.Ltmp1:
0x2c: {  	[tilespmem:s25+$0x20] =	vst v0;
	(pc) =	sbr.rel @p1 .LBB2_4-.Ltmp1, $4  }
0x2d: {  	[tilespmem:s25+$0x30] =	vst v0  }
0x2e: {  	[tilespmem:s25+$0x40] =	vst v0  }
0x2f: {  	[tilespmem:s25+$0x50] =	vst v0  }
0x30: {  	[tilespmem:s25+$0x60] =	vst v0;
	s25 =	sshra.s32 s26, $0x2;
	s26 =	sadd.s32 $0x200, s26  }
0x31: {  	[tilespmem:s25+$0x70] =	vst v0  }
0x32: {  	[tilespmem:s25+$0x0] =	vst v0  }
0x33: {  	[tilespmem:s25+$0x10] =	vst v0  }
0x34: {  	[tilespmem:s25+$0x20] =	vst v0  }
0x35: {  	[tilespmem:s25+$0x30] =	vst v0  }
0x36: {  	[tilespmem:s25+$0x40] =	vst v0  }
0x37: {  	[tilespmem:s25+$0x50] =	vst v0  }
0x38: {  	[tilespmem:s25+$0x60] =	vst v0  }
0x39: {  	[spmem:s9] =	stream.linear.scatter [tilespmem:s3], [sflag:$0x3], $0x4000, $0x38;
	[tilespmem:$0x1E500] =	vst v63  }
0x3a: {  	_ =	swait.ge [sflag:s16], $0x4000  }
0x3b: {  	[sflag:s16] =	ssyncset.done $0x0  }
0x3c: {  	[sflag:s16] =	ssyncadd.s32 $0xFFFFC000  }
0x3d: {  	[spmem:s10] =	stream.linear.scatter [tilespmem:s3], [sflag:$0x3], $0x4000, $0x38;
	[tilespmem:$0x1E500] =	vst v63  }
0x3e: {  	_ =	swait.ge [sflag:s16], $0x4000  }
0x3f: {  	[sflag:s16] =	ssyncset.done $0x0  }
0x40: {  	[sflag:s16] =	ssyncadd.s32 $0xFFFFC000  }
0x41: {  	[spmem:s11] =	stream.linear.scatter [tilespmem:s3], [sflag:$0x3], $0x4000, $0x38;
	[tilespmem:$0x1E500] =	vst v63  }
0x42: {  	_ =	swait.ge [sflag:s16], $0x4000  }
0x43: {  	[sflag:s16] =	ssyncset.done $0x0  }
0x44: {  	[sflag:s16] =	ssyncadd.s32 $0xFFFFC000  }
0x45: {  	[spmem:s12] =	stream.linear.scatter [tilespmem:s3], [sflag:$0x3], $0x4000, $0x38;
	[tilespmem:$0x1E500] =	vst v63  }
0x46: {  	_ =	swait.ge [sflag:s16], $0x4000  }
0x47: {  	[sflag:s16] =	ssyncset.done $0x0  }
0x48: {  	s25 =	simm.s32 @!p0 $0x0;
	[sflag:s16] =	ssyncadd.s32 $0xFFFFC000  }
0x49: {  	[spmem:s13] =	stream.linear.scatter @!p0 [tilespmem:s25], [sflag:$0x3], $0x4000, $0x38;
	[tilespmem:$0x1E500] =	vst v63  }
0x4a: {  	s25 =	simm.s32 @!p0 $0x3  }
0x4b: {  	_ =	swait.ge @!p0 [sflag:s25], $0x4000  }
0x4c: {  	[sflag:s25] =	ssyncset.done @!p0 $0x0  }
0x4d: {  	[sflag:s25] =	ssyncadd.s32 @!p0 $0xFFFFC000  }
0x4e: {  	s25 =	simm.s32 $0x0;
	[bflag:$0x0] =	sbarrier.arrive $0xFFFF  }
0x4f: {  	[tilespmem:s17], [sflag:$0x1] =	stream.linear.gather [hbm4b:s5+s25], $0x80, $0x38;
	[tilespmem:$0x1E500] =	vst v63  }
0x50: {  	s26 =	smov.u32 s15;
	s28 =	smov.u32 s14  }
0x51: {  	[tilespmem:s25], [sflag:$0x1] =	stream.linear.gather [hbm4b:s6+s25], $0x4000, $0x38;
	[tilespmem:$0x1E500] =	vst v63  }
.LBB2_6:
0x52: {  	s29 =	sand.u32 $0x1, s25  }
0x53: {  	p1 =	seq.s32 s29, $0x1  }
0x54: {  	s29 =	simm.s32 @p1 $0x2  }
0x55: {  	_ =	swait.ge @p1 [sflag:s29], $0x80  }
0x56: {  	[sflag:s29] =	ssyncset.done @p1 $0x0  }
0x57: {  	[sflag:s29] =	ssyncadd.s32 @p1 $0xFFFFFF80  }
0x58: {  	_ =	swait.ge @p1 [sflag:s29], $0x4000  }
0x59: {  	[sflag:s29] =	ssyncset.done @p1 $0x0  }
0x5a: {  	[sflag:s29] =	ssyncadd.s32 @p1 $0xFFFFC000;
	s29 =	sshrl.u32 @p1 s26, $0x3  }
0x5b: {  	s30 =	simm.s32 @p1 $0x0;
	s31 =	simm.s32 @p1 $0x8000;
	s29 =	sadd.s32 @p1 s4, s29  }
0x5c: {  	[tilespmem:s31], [sflag:$0x1] =	stream.linear.gather @p1 [hbm4b:s29+s30], $0x80, $0x38;
	[tilespmem:$0x1E500] =	vst v63  }
0x5d: {  	_ = 	snop  }
0x5e: {  	[tilespmem:s30], [sflag:$0x1] =	stream.linear.gather @p1 [hbm4b:s28+s30], $0x4000, $0x38;
	[tilespmem:$0x1E500] =	vst v63  }
0x5f: {  	s29 =	simm.s32 @p1 $0x80;
	s31 =	simm.s32 @p1 $0x4000;
	s30 =	simm.s32 @p1 $0x8080  }
0x60: {  	[spmem:s2] =	stream.indirect.scatter.add.f32 @p1 [tilespmem:s31], [sflag:$0x3], $0x80, s30, s29, $0xb8;
	[tilespmem:$0x1E500] =	vst v63  }
0x61: {  	s29 =	simm.s32 @p1 $0x3  }
0x62: {  	_ =	swait.ge @p1 [sflag:s29], $0x4000  }
0x63: {  	[sflag:s29] =	ssyncset.done @p1 $0x0  }
0x64: {  	[sflag:s29] =	ssyncadd.s32 @p1 $0xFFFFC000  }
0x65: {  	v2 =	vld @p1 [tilespmem:$0x8080];
	_ =	sdelay $0x6  }
0x66: {  	v3 =	vimm.f32 @p1 $1.000000000e+00;
	s29 =	simm.s32 @p1 $0x8100  }
0x67: {  	[tilespmem:v2+s29+$0x0] =	vst.idx.add.f32.msk @p1 $0xffff, v3  }
0x68: {  	v2 =	vld @p1 [tilespmem:$0x8090];
	_ =	sdelay $0x7  }
0x69: {  	[tilespmem:v2+s29+$0x0] =	vst.idx.add.f32.msk @p1 $0xffff, v3  }
0x6a: {  	v2 =	vld @p1 [tilespmem:$0x80A0];
	_ =	sdelay $0x7  }
0x6b: {  	[tilespmem:v2+s29+$0x0] =	vst.idx.add.f32.msk @p1 $0xffff, v3  }
0x6c: {  	v2 =	vld @p1 [tilespmem:$0x80B0];
	_ =	sdelay $0x7  }
0x6d: {  	[tilespmem:v2+s29+$0x0] =	vst.idx.add.f32.msk @p1 $0xffff, v3  }
0x6e: {  	v2 =	vld @p1 [tilespmem:$0x80C0];
	_ =	sdelay $0x7  }
0x6f: {  	[tilespmem:v2+s29+$0x0] =	vst.idx.add.f32.msk @p1 $0xffff, v3  }
0x70: {  	v2 =	vld @p1 [tilespmem:$0x80D0];
	_ =	sdelay $0x7  }
0x71: {  	[tilespmem:v2+s29+$0x0] =	vst.idx.add.f32.msk @p1 $0xffff, v3;
	s29 =	simm.s32 @!p1 $0x1  }
0x72: {  	_ =	swait.ge @!p1 [sflag:s29], $0x80  }
0x73: {  	[sflag:s29] =	ssyncset.done @!p1 $0x0  }
0x74: {  	[sflag:s29] =	ssyncadd.s32 @!p1 $0xFFFFFF80  }
0x75: {  	p2 =	seq.s32 @!p1 s25, $0x4E;
	_ =	swait.ge @!p1 [sflag:s29], $0x4000  }
0x76: {  	p2 =	por p2, p1;
	[sflag:s29] =	ssyncset.done @!p1 $0x0  }
0x77: {  	[sflag:s29] =	ssyncadd.s32 @!p1 $0xFFFFC000;
	s29 =	sshrl.u32 @!p2 s26, $0x3  }
0x78: {  	s30 =	simm.s32 @!p2 $0x0;
	s31 =	simm.s32 @!p2 $0x8080;
	s29 =	sadd.s32 @!p2 s4, s29  }
0x79: {  	[tilespmem:s31], [sflag:$0x2] =	stream.linear.gather @!p2 [hbm4b:s29+s30], $0x80, $0x38;
	[tilespmem:$0x1E500] =	vst v63  }
0x7a: {  	s29 =	simm.s32 @!p2 $0x4000  }
0x7b: {  	[tilespmem:s29], [sflag:$0x2] =	stream.linear.gather @!p2 [hbm4b:s28+s30], $0x4000, $0x38;
	[tilespmem:$0x1E500] =	vst v63  }
0x7c: {  	s31 =	simm.s32 @!p1 $0x0;
	s29 =	simm.s32 @!p1 $0x80;
	s30 =	simm.s32 @!p1 $0x8000  }
0x7d: {  	[spmem:s2] =	stream.indirect.scatter.add.f32 @!p1 [tilespmem:s31], [sflag:$0x3], $0x80, s30, s29, $0xb8;
	[tilespmem:$0x1E500] =	vst v63  }
0x7e: {  	s29 =	simm.s32 @!p1 $0x3  }
0x7f: {  	_ =	swait.ge @!p1 [sflag:s29], $0x4000  }
0x80: {  	[sflag:s29] =	ssyncset.done @!p1 $0x0  }
0x81: {  	[sflag:s29] =	ssyncadd.s32 @!p1 $0xFFFFC000  }
0x82: {  	v2 =	vld @!p1 [tilespmem:$0x8000];
	_ =	sdelay $0x6  }
0x83: {  	v3 =	vimm.f32 @!p1 $1.000000000e+00;
	s29 =	simm.s32 @!p1 $0x8100  }
0x84: {  	[tilespmem:v2+s29+$0x0] =	vst.idx.add.f32.msk @!p1 $0xffff, v3  }
0x85: {  	v2 =	vld @!p1 [tilespmem:$0x8010];
	_ =	sdelay $0x7  }
0x86: {  	[tilespmem:v2+s29+$0x0] =	vst.idx.add.f32.msk @!p1 $0xffff, v3  }
0x87: {  	v2 =	vld @!p1 [tilespmem:$0x8020];
	_ =	sdelay $0x7  }
0x88: {  	[tilespmem:v2+s29+$0x0] =	vst.idx.add.f32.msk @!p1 $0xffff, v3  }
0x89: {  	v2 =	vld @!p1 [tilespmem:$0x8030];
	_ =	sdelay $0x7  }
0x8a: {  	[tilespmem:v2+s29+$0x0] =	vst.idx.add.f32.msk @!p1 $0xffff, v3  }
0x8b: {  	v2 =	vld @!p1 [tilespmem:$0x8040];
	_ =	sdelay $0x7  }
0x8c: {  	[tilespmem:v2+s29+$0x0] =	vst.idx.add.f32.msk @!p1 $0xffff, v3  }
0x8d: {  	v2 =	vld @!p1 [tilespmem:$0x8050];
	_ =	sdelay $0x6  }
0x8e: {  	s30 =	simm.s32 @!p1 $0x8060  }
0x8f: {  	s30 =	simm.s32 @p1 $0x80E0;
	[tilespmem:v2+s29+$0x0] =	vst.idx.add.f32.msk @!p1 $0xffff, v3  }
0x90: {  	v2 =	vld [tilespmem:s30+$0x0];
	_ =	sdelay $0x6  }
0x91: {  	s29 =	simm.s32 @!p1 $0x8070  }
0x92: {  	s29 =	simm.s32 @p1 $0x80F0;
	[tilespmem:v2+s18+$0x0] =	vst.idx.add.f32.msk $0xffff, v1  }
0x93: {  	v2 =	vld [tilespmem:s29+$0x0];
	_ =	sdelay $0x1  }
0x94: {  	s25 =	sadd.s32 $0x1, s25  }
0x95: {  	p1 =	sne.s32 s25, $0x4F  }
.Ltmp2:
0x96: {  	_ = 	snop;
	(pc) =	sbr.rel @p1 .LBB2_6-.Ltmp2, $2  }
0x97: {  	_ =	sdelay $0x2  }
0x98: {  	s26 =	sadd.s32 $0x80, s26;
	s28 =	sadd.s32 $0x800, s28;
	[tilespmem:v2+s18+$0x0] =	vst.idx.add.f32.msk $0xffff, v1  }
0x99: {  	[hbm4b:s7+s3] =	stream.linear.scatter [tilespmem:s18], [sflag:$0x3], $0x2800, $0x38;
	[tilespmem:$0x1E500] =	vst v63  }
0x9a: {  	_ =	swait.ge [sflag:s16], $0x2800  }
0x9b: {  	[sflag:s16] =	ssyncset.done $0x0  }
0x9c: {  	s25 =	sshll.u32 s1, $0x6;
	[sflag:s16] =	ssyncadd.s32 $0xFFFFD800  }
0x9d: {  	s26 =	sshrl.u32 s9, $0x3;
	s25 =	sor.u32 $0x1C03, s25;
	[bflag:$0x0] =	sbarrier.arrive $0xFFFF  }
0x9e: {  	[hbm:s19], [sflag:s25] =	dma.local [spmem:s26], $0x800  }
0x9f: {  	_ =	swait.ge [sflag:s16], $0x800  }
0xa0: {  	[sflag:s16] =	ssyncset.done $0x0  }
0xa1: {  	s29 =	sshrl.u32 s10, $0x3;
	[sflag:s16] =	ssyncadd.s32 $0xFFFFF800  }
0xa2: {  	[hbm:s20], [sflag:s25] =	dma.local [spmem:s29], $0x800  }
0xa3: {  	_ =	swait.ge [sflag:s16], $0x800  }
0xa4: {  	[sflag:s16] =	ssyncset.done $0x0  }
0xa5: {  	s30 =	sshrl.u32 s11, $0x3;
	[sflag:s16] =	ssyncadd.s32 $0xFFFFF800  }
0xa6: {  	[hbm:s21], [sflag:s25] =	dma.local [spmem:s30], $0x800  }
0xa7: {  	_ =	swait.ge [sflag:s16], $0x800  }
0xa8: {  	[sflag:s16] =	ssyncset.done $0x0  }
0xa9: {  	s31 =	sshrl.u32 s12, $0x3;
	[sflag:s16] =	ssyncadd.s32 $0xFFFFF800  }
0xaa: {  	[hbm:s22], [sflag:s25] =	dma.local [spmem:s31], $0x800  }
0xab: {  	_ =	swait.ge [sflag:s16], $0x800  }
0xac: {  	s24 =	sadd.s32 $0x1, s24;
	[sflag:s16] =	ssyncset.done $0x0  }
0xad: {  	p1 =	sne.s32 s24, s8;
	s26 =	sshrl.u32 @!p0 s13, $0x3;
	[sflag:s16] =	ssyncadd.s32 $0xFFFFF800  }
0xae: {  	[hbm:s23], [sflag:s25] =	dma.local @!p0 [spmem:s26], $0x800  }
.Ltmp3:
0xaf: {  	_ = 	snop;
	(pc) =	sbr.rel @p1 .LBB2_1-.Ltmp3, $4  }
0xb0: {  	s25 =	simm.s32 @!p0 $0x3  }
0xb1: {  	_ =	swait.ge @!p0 [sflag:s25], $0x800  }
0xb2: {  	[sflag:s25] =	ssyncset.done @!p0 $0x0  }
0xb3: {  	[sflag:s25] =	ssyncadd.s32 @!p0 $0xFFFFF800  }
0xb4: {  	_ =	sfence.sel $0x180000  }
0xb5: {  	[bflag:$0x0] =	sbarrier.arrive $0xFFFF  }
0xb6: {  	p0 =	sne.s32 s1, $0x0;
	_ =	strace $0x9000004A  }
0xb7: {  	s0 =	sadd.s32 @!p0 $0x100000, s0;
	[bflag:$0x2] =	sbarrier.arrive $0xFFFF  }
0xb8: {  	[sflag:s0] =	ssyncadd.tile.s32 @!p0 $0x1;
	_ =	shalt  }
.Lfunc_end2:
_tile_overlayer_lowered:
.L_overlay_start_2:
0xb9: {  	(tag) =	ssettag $0x2  }
0xba: {  	s0 =	rddreg [dreg:$0x0];
	s2 =	stileid.u32  }
0xbb: {  	s1 =	rddreg [dreg:$0x1];
	p0 =	sne.s32 s2, $0x0  }
0xbc: {  	s3 =	rddreg [dreg:$0x2];
	[bflag:$0x3] =	sbarrier.arrive $0xFFFF;
	s2 =	simm.s32 @!p0 $0x1C03  }
0xbd: {  	[timem:s3], [sflag:s2] =	dma.local @!p0 [hbm:s0], s1  }
0xbe: {  	s0 =	simm.s32 @!p0 $0x3  }
0xbf: {  	_ =	swait.ge @!p0 [sflag:s0], s1  }
0xc0: {  	s1 =	ssub.s32 @!p0 $0x0, s1;
	[sflag:s0] =	ssyncset.done @!p0 $0x0  }
0xc1: {  	[sflag:s0] =	ssyncadd.s32 @!p0 s1  }
0xc2: {  	[bflag:$0x3] =	sbarrier.arrive $0xFFFF  }
0xc3: {  	_ =	shalt  }

// kernel: kernel.7.cloned.1.call-start
scs
__scs_entry_jumppad:
0x0: {  	(pc) =	sbr.rel $0x88, $3  }
0x1: {  	(tag) =	ssettag $0x0;
	lr =	simm.s32 $0x1  }
0x2: {  	[smem:$0x3F8A] =	sst lr;
	_ =	strace $0xD0000000  }
0x3: {  	_ = 	snop  }
0x4: {  	_ = 	snop  }
0x5: {  	_ = 	snop  }
0x6: {  	_ = 	snop  }
0x7: {  	_ = 	snop  }
__scs_overlays_trampoline_lowered:
0x8: {  	[smem:$0x3F99] =	sst s0  }
0x9: {  	[smem:$0x3F9A] =	sst s1  }
0xa: {  	[smem:$0x3F9B] =	sst s2  }
0xb: {  	[smem:$0x3F9C] =	sst s3  }
0xc: {  	[smem:$0x3F9D] =	sst s4  }
0xd: {  	[smem:$0x3F9E] =	sst s5  }
0xe: {  	[smem:$0x3F9F] =	sst s6  }
0xf: {  	[smem:$0x3FA0] =	sst s7  }
0x10: {  	[smem:$0x3FA1] =	sst s8  }
0x11: {  	[smem:$0x3FA2] =	sst s9;
	s0 =	simm.s32 @!p0 $0x0  }
0x12: {  	s1 =	sld [smem:$0x3F88];
	s0 =	simm.s32 @p0 $0x1  }
0x13: {  	[smem:$0x3FA3] =	sst s0;
	s0 =	simm.s32 @!p1 $0x0  }
0x14: {  	s2 =	sld [smem:$0x3F87];
	s0 =	simm.s32 @p1 $0x1  }
0x15: {  	[smem:$0x3FA4] =	sst s0;
	s0 =	simm.s32 @!p2 $0x0  }
0x16: {  	s3 =	sld [smem:$0x3FDB];
	s0 =	simm.s32 @p2 $0x1  }
0x17: {  	s4 =	simm.s32 $0x1BF5;
	[smem:$0x3FA6] =	sst s0  }
0x18: {  	s0 =	sld [smem:$0x3F89];
	_ =	swait.ge [sflag:s4], $0x0  }
0x19: {  	s7 =	sld [smem:$0x3F8A]  }
0x1a: {  	s8 =	sadd.s32 $0xFFFFE003, lr  }
0x1b: {  	s9 =	sadd.s32 $0xFFFFFEF7, lr;
	s5 =	simm.s32 $0xFFFFFFFF;
	p2 =	slt.u32 s8, $0xFFFFF086  }
0x1c: {  	p1 =	slt.u32 s9, $0xF7A;
	s5 =	simm.s32 @!p2 $0x0  }
0x1d: {  	s5 =	simm.s32 @p1 $0x1;
	p0 =	seq.s32 s7, s2  }
0x1e: {  	s7 =	smul.u32 @!p0 $0xF7A, s2;
	p2 =	seq.s32 @!p0 s5, $0x0  }
0x1f: {  	s9 =	smul.u32 $0xF7A, s1;
	s8 =	simm.s32 @!p0 $0x1BF5;
	p2 =	por !p2, p0  }
0x20: {  	[sflag:s8] =	ssyncset.s32 @!p0 $0xFFFFF086;
	s6 =	sadd.s32 @!p0 s3, s7;
	s7 =	simm.s32 @!p0 $0x108  }
0x21: {  	s3 =	sadd.s32 s3, s9;
	s6 =	sadd.s32 @!p0 $0x88, s6;
	s7 =	simm.s32 @p2 $0x1082  }
0x22: {  	[simem:s7], [sflag:s8] =	dma.local @!p0 [hbm:s6], $0xF7A  }
0x23: {  	s9 =	sor.u32 $0xD0000000, s2;
	s6 =	simm.s32 $0x108;
	_ =	swait.ge @!p0 [sflag:s8], $0x0  }
0x24: {  	s3 =	sadd.s32 $0x88, s3;
	s6 =	simm.s32 @!p1 $0x1082;
	[sflag:s4] =	ssyncset.s32 $0xFFFFF086  }
0x25: {  	[simem:s6], [sflag:s4] =	dma.local [hbm:s3], $0xF7A  }
0x26: {  	[smem:$0x3F8A] =	sst s1;
	(tag) =	ssettag s2;
	_ =	strace s9  }
0x27: {  	s1 =	sld [smem:$0x3F9A]  }
0x28: {  	s2 =	sld [smem:$0x3F9B]  }
0x29: {  	s4 =	sld [smem:$0x3F9D]  }
0x2a: {  	p0 =	seq.s32 s5, $0x0;
	s5 =	sld [smem:$0x3F9E]  }
0x2b: {  	s6 =	sld [smem:$0x3F9F]  }
0x2c: {  	s7 =	sld [smem:$0x3FA0]  }
0x2d: {  	s3 =	simm.s32 $0x108;
	s8 =	sld [smem:$0x3FA1]  }
0x2e: {  	s3 =	simm.s32 @!p0 $0x1082;
	s9 =	sld [smem:$0x3FA2]  }
0x2f: {  	lr =	sadd.s32 s0, s3;
	s0 =	sld [smem:$0x3F99]  }
0x30: {  	s3 =	sld [smem:$0x3F9C]  }
0x31: {  	[smem:$0x3FA5] =	sst s10  }
0x32: {  	s10 =	sld [smem:$0x3FA3];
	_ =	sdelay $0x3  }
0x33: {  	p0 =	seq.s32 s10, $0x1;
	s10 =	sld [smem:$0x3FA5];
	_ =	sdelay $0x3  }
0x34: {  	[smem:$0x3FA5] =	sst s10  }
0x35: {  	s10 =	sld [smem:$0x3FA4];
	_ =	sdelay $0x3  }
0x36: {  	p1 =	seq.s32 s10, $0x1;
	s10 =	sld [smem:$0x3FA5];
	_ =	sdelay $0x3  }
0x37: {  	[smem:$0x3FA5] =	sst s10  }
0x38: {  	s10 =	sld [smem:$0x3FA6]  }
0x39: {  	_ = 	snop;
	(pc) =	sbr.ind lr, $3  }
0x3a: {  	_ = 	snop  }
0x3b: {  	_ = 	snop  }
0x3c: {  	p2 =	seq.s32 s10, $0x1;
	s10 =	sld [smem:$0x3FA5]  }
0x3d: {  	_ =	shalt  }
0x3e: {  	_ =	shalt  }
0x3f: {  	_ =	shalt  }
0x40: {  	_ =	shalt  }
0x41: {  	_ =	shalt  }
0x42: {  	_ =	shalt  }
0x43: {  	_ =	shalt  }
0x44: {  	_ =	shalt  }
0x45: {  	_ =	shalt  }
0x46: {  	_ =	shalt  }
0x47: {  	_ =	shalt  }
0x48: {  	_ =	shalt  }
0x49: {  	_ =	shalt  }
0x4a: {  	_ =	shalt  }
0x4b: {  	_ =	shalt  }
0x4c: {  	_ =	shalt  }
0x4d: {  	_ =	shalt  }
0x4e: {  	_ =	shalt  }
0x4f: {  	_ =	shalt  }
0x50: {  	_ =	shalt  }
0x51: {  	_ =	shalt  }
0x52: {  	_ =	shalt  }
0x53: {  	_ =	shalt  }
0x54: {  	_ =	shalt  }
0x55: {  	_ =	shalt  }
0x56: {  	_ =	shalt  }
0x57: {  	_ =	shalt  }
0x58: {  	_ =	shalt  }
0x59: {  	_ =	shalt  }
0x5a: {  	_ =	shalt  }
0x5b: {  	_ =	shalt  }
0x5c: {  	_ =	shalt  }
0x5d: {  	_ =	shalt  }
0x5e: {  	_ =	shalt  }
0x5f: {  	_ =	shalt  }
0x60: {  	_ =	shalt  }
0x61: {  	_ =	shalt  }
0x62: {  	_ =	shalt  }
0x63: {  	_ =	shalt  }
0x64: {  	_ =	shalt  }
0x65: {  	_ =	shalt  }
0x66: {  	_ =	shalt  }
0x67: {  	_ =	shalt  }
0x68: {  	_ =	shalt  }
0x69: {  	_ =	shalt  }
0x6a: {  	_ =	shalt  }
0x6b: {  	_ =	shalt  }
0x6c: {  	_ =	shalt  }
0x6d: {  	_ =	shalt  }
0x6e: {  	_ =	shalt  }
0x6f: {  	_ =	shalt  }
0x70: {  	_ =	shalt  }
0x71: {  	_ =	shalt  }
0x72: {  	_ =	shalt  }
0x73: {  	_ =	shalt  }
0x74: {  	_ =	shalt  }
0x75: {  	_ =	shalt  }
0x76: {  	_ =	shalt  }
0x77: {  	_ =	shalt  }
0x78: {  	_ =	shalt  }
0x79: {  	_ =	shalt  }
0x7a: {  	_ =	shalt  }
0x7b: {  	_ =	shalt  }
0x7c: {  	_ =	shalt  }
0x7d: {  	_ =	shalt  }
0x7e: {  	_ =	shalt  }
0x7f: {  	_ =	shalt  }
0x80: {  	_ =	shalt  }
0x81: {  	_ =	shalt  }
0x82: {  	_ =	shalt  }
0x83: {  	_ =	shalt  }
0x84: {  	_ =	shalt  }
0x85: {  	_ =	shalt  }
0x86: {  	_ =	shalt  }
0x87: {  	_ =	shalt  }
.Lfunc_end0:
.L_simem_size_0:
called_computation_lowered:
.L_overlay_start_0:
0x88: {  	s2 =	sld [smem:$0x3FD9]  }
0x89: {  	s3 =	sld [smem:$0x3FFE];
	_ =	sdelay $0x1  }
0x8a: {  	s1 =	srdreg.scid  }
0x8b: {  	s0 =	sand.u32 $0x1, s1  }
0x8c: {  	s16 =	sshll.u32 s0, $0xA;
	s2 =	sadd.s32 s3, s2  }
0x8d: {  	s2 =	sadd.s32 s2, s16  }
0x8e: {  	[smem:$0x3FB1] =	sst s2  }
0x8f: {  	_ = 	snop  }
0x90: {  	(tm) =	ssettm $0x1  }
0x91: {  	s17 =	sld [smem:$0x3FFB];
	_ =	sdelay $0x3  }
0x92: {  	_ =	strace s17  }
0x93: {  	s2 =	sld [smem:$0x3FFC];
	_ =	sdelay $0x3  }
0x94: {  	_ =	strace s2  }
0x95: {  	s2 =	sld [smem:$0x3FFD];
	_ =	sdelay $0x3  }
0x96: {  	_ =	strace s2  }
0x97: {  	_ =	strace $0x8FFFFFFF  }
0x98: {  	s18 =	sld [smem:$0x3FDB];
	_ =	sdelay $0x1  }
0x99: {  	s19 =	simm.s32 $_scs_section_size  }
0x9a: {  	s4 =	simm.s32 $_size__tile_overlayer_lowered;
	s5 =	simm.s32 $_tile_overlayer_lowered  }
0x9b: {  	s22 =	simm.s32 $0x1BFF;
	s21 =	sshll.u32 s5, $0x1;
	s2 =	sadd.s32 s19, s18  }
0x9c: {  	s6 =	simm.s32 $0x0;
	s20 =	sshll.u32 s4, $0x1;
	s4 =	sadd.s32 s21, s2  }
0x9d: {  	[timem:s6], [sflag:s22] =	dma.local [hbm:s4], s20  }
0x9e: {  	_ =	swait.ge [sflag:s22], s20  }
0x9f: {  	s3 =	ssub.s32 $0x0, s20;
	[sflag:s22] =	ssyncset.done $0x0  }
0xa0: {  	[sflag:s22] =	ssyncadd.s32 s3;
	_ =	sdelay $0x1  }
0xa1: {  	s23 =	simm.s32 $0x1B8B  }
0xa2: {  	_ =	swait.ge [sflag:s23], $0x1  }
0xa3: {  	[sflag:s23] =	ssyncset.done $0x0  }
0xa4: {  	s25 =	simm.s32 $0x1B8E;
	s24 =	sld [smem:$0x3FFE];
	[sflag:s23] =	ssyncadd.s32 $0xFFFFFFFF  }
0xa5: {  	s26 =	simm.s32 $execute0_lowered;
	[smem:$0x3FD2] =	sst s25  }
0xa6: {  	s4 =	sshll.u32 s26, $0x1;
	_ =	strace $0x80000046;
	[dreg:$0x1] =	wrdreg $0xFFFFFFFF  }
0xa7: {  	s28 =	simm.s32 $_size_execute0_lowered;
	s2 =	sadd.s32 s2, s4;
	[dreg:$0x0] =	wrdreg $0x0  }
0xa8: {  	s4 =	sshll.u32 s28, $0x1;
	[dreg:$0x2] =	wrdreg s2  }
0xa9: {  	[dreg:$0x3] =	wrdreg s4  }
0xaa: {  	[dreg:$0x4] =	wrdreg $0xC0  }
0xab: {  	_ =	task [dreg:s6], $0x5FFFF  }
0xac: {  	[dreg:$0x1] =	wrdreg $0xFFFFFFFF  }
0xad: {  	[dreg:$0x0] =	wrdreg $0x60  }
0xae: {  	[dreg:$0x2] =	wrdreg s24  }
0xaf: {  	[dreg:$0x3] =	wrdreg $0x9  }
0xb0: {  	_ =	task.clear_ibuf [dreg:s6], $0x4FFFF;
	_ =	strace $0x90000046  }
0xb1: {  	s29 =	simm.s32 $0x9;
	_ =	strace $0x80000048  }
0xb2: {  	_ =	swait.ge [sflag:s29], $0x1  }
0xb3: {  	[sflag:s29] =	ssyncadd.s32 $0xFFFFFFFF  }
0xb4: {  	_ =	strace $0x90000048  }
0xb5: {  	_ =	sfence  }
0xb6: {  	s30 =	sld [smem:$0x0];
	_ =	sdelay $0x2  }
0xb7: {  	s31 =	sshll.u32 s1, $0xD;
	s1 =	sshrl.u32 s1, $0x2  }
0xb8: {  	s3 =	sand.u32 $0x4000, s31;
	s1 =	sadd.s32 s1, s30  }
0xb9: {  	s0 =	sor.u32 s3, s0;
	s1 =	sshll.u32 s1, $0x11  }
0xba: {  	s0 =	sor.u32 s1, s0  }
0xbb: {  	s0 =	sadd.s32 $0x8F2B, s0  }
0xbc: {  	[sflag:s0] =	ssyncadd.remote.s32 $0x1  }
0xbd: {  	_ =	sfence.sel $0xFFFF  }
0xbe: {  	[dreg:$0x0] =	wrdreg $0xFFFFFFFF;
	(pc) =	sbr.abs _section_cstart, $3  }
0xbf: {  	[dreg:$0x1] =	wrdreg $0xFFFFFFFF  }
0xc0: {  	_ =	task.clear_ibuf [dreg:s6], $0x2FFFF;
	_ =	strace $0x9FFFFFFF  }
0xc1: {  	(tm) =	ssettm $0x7FFFFFFF  }
tec
execute0_lowered:
.L_overlay_start_1:
0x0: {  	(tag) =	ssettag $0x1  }
0x1: {  	s5 =	rddreg [dreg:$0x0];
	s2 =	simm.s32 $0x0  }
0x2: {  	s4 =	srdreg.scid;
	s0 =	stileid.u32;
	s18 =	simm.s32 $0x180  }
0x3: {  	s19 =	simm.s32 $0xC200;
	s20 =	simm.s32 $0x3;
	s21 =	simm.s32 $0x200  }
0x4: {  	s22 =	simm.s32 $0x8200;
	s23 =	simm.s32 $0x5;
	s24 =	simm.s32 $0x6  }
0x5: {  	s25 =	simm.s32 $0x1;
	[smem:$0x7FF] =	sst s2;
	s3 =	sadd.s32 $0x21400, s5  }
0x6: {  	s11 =	sand.u32 $0x1, s4;
	s26 =	sshll.u32 s0, $0x1;
	s15 =	smul.u32 $0x278000, s0  }
0x7: {  	s12 =	sadd.s32 $0xD800, s5;
	s13 =	sadd.s32 $0x17600, s5;
	s17 =	smul.u32 $0x9E0, s0  }
0x8: {  	s4 =	sadd.s32 $0x48600, s5;
	s5 =	sadd.s32 $0x538600, s5;
	s16 =	smul.u32 $0x13C000, s11  }
0x9: {  	s6 =	sor.u32 s11, s26;
	s7 =	ssub.s32 $0x2, s11;
	s30 =	smul.u32 $0x4F0, s11  }
0xa: {  	_ =	strace $0x80000047;
	s8 =	smul.u32 $0x13C000, s6;
	s9 =	sshrl.u32 s7, $0x1  }
0xb: {  	s26 =	simm.s32 $0x0;
	s10 =	smul.u32 $0x4F0, s6;
	s14 =	ssub.s32 s7, s9  }
0xc: {  	s31 =	sadd.s32 s16, s15;
	s15 =	simm.s32 $0x2;
	s16 =	simm.s32 $0x80  }
0xd: {  	s28 =	sshrl.u32 s8, $0x3;
	s1 =	sadd.s32 s12, s10;
	s7 =	sadd.s32 s13, s10  }
.Ltmp0:
0xe: {  	s10 =	smax.u32 s14, $0x1;
	s12 =	sadd.s32 s17, s12;
	(pc) =	sbr.rel .LBB2_1-.Ltmp0, $4  }
0xf: {  	s13 =	sadd.s32 s17, s13;
	s11 =	sadd.s32 $0xFFFFC000, s31;
	s14 =	simm.s32 $0x100  }
0x10: {  	s17 =	simm.s32 $0x4200;
	[dreg:$0x2] =	wrdreg s1;
	s29 =	sadd.s32 $0x27000, s28  }
0x11: {  	s12 =	sadd.s32 s30, s12;
	s13 =	sadd.s32 s30, s13;
	s8 =	sadd.s32 s4, s29  }
0x12: {  	s9 =	sadd.s32 s5, s29;
	s12 =	sadd.s32 $0x10, s12;
	s13 =	sadd.s32 $0x10, s13  }
.LBB2_7:
0x13: {  	_ =	swait.ge [sflag:s20], $0x4000  }
0x14: {  	[sflag:s20] =	ssyncset.done $0x0  }
0x15: {  	[sflag:s20] =	ssyncadd.s32 $0xFFFFC000  }
0x16: {  	_ =	swait.ge [sflag:s20], $0x4000  }
0x17: {  	[sflag:s20] =	ssyncset.done $0x0  }
0x18: {  	[sflag:s20] =	ssyncadd.s32 $0xFFFFC000  }
0x19: {  	[hbm4b:s8+s2] =	stream.linear.scatter [tilespmem:s21], [sflag:$0x5], $0x4000, $0x38;
	[tilespmem:$0x10200] =	vst v63  }
0x1a: {  	_ = 	snop  }
0x1b: {  	[hbm4b:s9+s2] =	stream.linear.scatter [tilespmem:s22], [sflag:$0x5], $0x4000, $0x38;
	[tilespmem:$0x10200] =	vst v63  }
0x1c: {  	_ =	swait.ge [sflag:s23], $0x4000  }
0x1d: {  	[sflag:s23] =	ssyncset.done $0x0  }
0x1e: {  	[sflag:s23] =	ssyncadd.s32 $0xFFFFC000  }
0x1f: {  	_ =	swait.ge [sflag:s23], $0x4000  }
0x20: {  	[sflag:s23] =	ssyncset.done $0x0  }
0x21: {  	s26 =	sadd.s32 $0x1, s26;
	[sflag:s23] =	ssyncadd.s32 $0xFFFFC000  }
0x22: {  	p0 =	sne.s32 s26, s10;
	_ =	swait.ge [sflag:s24], $0x4000  }
.Ltmp1:
0x23: {  	[sflag:s24] =	ssyncset.done $0x0;
	(pc) =	sbr.rel @!p0 .LBB2_8-.Ltmp1, $4  }
0x24: {  	[sflag:s24] =	ssyncadd.s32 $0xFFFFC000  }
0x25: {  	_ =	swait.ge [sflag:s24], $0x4000  }
0x26: {  	[sflag:s24] =	ssyncset.done $0x0  }
0x27: {  	[sflag:s24] =	ssyncadd.s32 $0xFFFFC000  }
.LBB2_1:
.Ltmp2:
0x28: {  	(pc) =	sbr.rel .LBB2_2-.Ltmp2, $4  }
0x29: {  	s0 =	rddreg [dreg:$0x2]  }
0x2a: {  	[tilespmem:s2], [sflag:$0x1] =	stream.linear.gather [hbm4b:s0+s2], $0x80, $0x38;
	[tilespmem:$0x10200] =	vst v63  }
0x2b: {  	s28 =	smov.u32 s11;
	s29 =	simm.s32 $0x0;
	s30 =	simm.s32 $0x0  }
0x2c: {  	[tilespmem:s14], [sflag:$0x1] =	stream.linear.gather [hbm4b:s7+s2], $0x80, $0x38;
	[tilespmem:$0x10200] =	vst v63  }
.LBB2_5:
0x2d: {  	s0 =	simm.s32 @!p0 $0x6  }
0x2e: {  	_ =	swait.ge @!p0 [sflag:s0], $0x4000  }
0x2f: {  	[sflag:s0] =	ssyncset.done @!p0 $0x0  }
0x30: {  	[sflag:s0] =	ssyncadd.s32 @!p0 $0xFFFFC000  }
0x31: {  	_ =	swait.ge @!p0 [sflag:s0], $0x4000  }
0x32: {  	[sflag:s0] =	ssyncset.done @!p0 $0x0  }
0x33: {  	[sflag:s0] =	ssyncadd.s32 @!p0 $0xFFFFC000  }
0x34: {  	_ =	swait.ge [sflag:s15], $0x80  }
0x35: {  	[sflag:s15] =	ssyncset.done $0x0  }
0x36: {  	[sflag:s15] =	ssyncadd.s32 $0xFFFFFF80  }
0x37: {  	_ =	swait.ge [sflag:s15], $0x80  }
0x38: {  	[sflag:s15] =	ssyncset.done $0x0  }
0x39: {  	[sflag:s15] =	ssyncadd.s32 $0xFFFFFF80  }
0x3a: {  	[tilespmem:s17], [sflag:$0x4] =	stream.indirect.gather [hbm4b:s3+s16], $0x80, s16, s16, $0xb8;
	[tilespmem:$0x10200] =	vst v63  }
0x3b: {  	_ = 	snop  }
0x3c: {  	[tilespmem:s19], [sflag:$0x4] =	stream.indirect.gather [hbm4b:s3+s16], $0x80, s18, s16, $0xb8;
	[tilespmem:$0x10200] =	vst v63  }
0x3d: {  	_ =	swait.ge [sflag:s20], $0x4000  }
0x3e: {  	[sflag:s20] =	ssyncset.done $0x0  }
0x3f: {  	[sflag:s20] =	ssyncadd.s32 $0xFFFFC000  }
0x40: {  	_ =	swait.ge [sflag:s20], $0x4000  }
0x41: {  	s31 =	sshrl.u32 s28, $0x3;
	[sflag:s20] =	ssyncset.done $0x0  }
0x42: {  	s1 =	sadd.s32 s4, s31;
	[sflag:s20] =	ssyncadd.s32 $0xFFFFC000  }
0x43: {  	[hbm4b:s1+s2] =	stream.linear.scatter [tilespmem:s21], [sflag:$0x5], $0x4000, $0x38;
	[tilespmem:$0x10200] =	vst v63  }
0x44: {  	s0 =	sadd.s32 s5, s31  }
0x45: {  	[hbm4b:s0+s2] =	stream.linear.scatter [tilespmem:s22], [sflag:$0x5], $0x4000, $0x38;
	[tilespmem:$0x10200] =	vst v63  }
0x46: {  	s6 =	sadd.s32 s29, s12  }
0x47: {  	[tilespmem:s2], [sflag:$0x1] =	stream.linear.gather [hbm4b:s6+s2], $0x80, $0x38;
	[tilespmem:$0x10200] =	vst v63  }
0x48: {  	s31 =	sadd.s32 s29, s13  }
0x49: {  	[tilespmem:s14], [sflag:$0x1] =	stream.linear.gather [hbm4b:s31+s2], $0x80, $0x38;
	[tilespmem:$0x10200] =	vst v63  }
.LBB2_6:
0x4a: {  	s29 =	sadd.s32 $0x10, s29  }
0x4b: {  	p0 =	sne.s32 s29, $0x4F0  }
.Ltmp3:
0x4c: {  	_ = 	snop;
	(pc) =	sbr.rel @!p0 .LBB2_7-.Ltmp3, $2  }
0x4d: {  	_ =	sdelay $0x2  }
0x4e: {  	s30 =	sadd.s32 $0x1, s30;
	s28 =	sadd.s32 $0x4000, s28  }
.LBB2_2:
0x4f: {  	s31 =	sand.u32 $0x1, s30  }
0x50: {  	p1 =	seq.s32 s31, $0x1  }
.Ltmp4:
0x51: {  	_ = 	snop;
	(pc) =	sbr.rel @p1 .LBB2_5-.Ltmp4, $2  }
0x52: {  	_ =	sdelay $0x2  }
0x53: {  	p0 =	slt.u32 s30, $0x2  }
0x54: {  	s31 =	simm.s32 @!p0 $0x5  }
0x55: {  	_ =	swait.ge @!p0 [sflag:s31], $0x4000  }
0x56: {  	[sflag:s31] =	ssyncset.done @!p0 $0x0  }
0x57: {  	[sflag:s31] =	ssyncadd.s32 @!p0 $0xFFFFC000  }
0x58: {  	_ =	swait.ge @!p0 [sflag:s31], $0x4000  }
0x59: {  	[sflag:s31] =	ssyncset.done @!p0 $0x0  }
0x5a: {  	[sflag:s31] =	ssyncadd.s32 @!p0 $0xFFFFC000  }
0x5b: {  	_ =	swait.ge [sflag:s25], $0x80  }
0x5c: {  	[sflag:s25] =	ssyncset.done $0x0  }
0x5d: {  	[sflag:s25] =	ssyncadd.s32 $0xFFFFFF80  }
0x5e: {  	_ =	swait.ge [sflag:s25], $0x80  }
0x5f: {  	[sflag:s25] =	ssyncset.done $0x0  }
0x60: {  	p0 =	seq.s32 s29, $0x0;
	[sflag:s25] =	ssyncadd.s32 $0xFFFFFF80  }
0x61: {  	[tilespmem:s21], [sflag:$0x3] =	stream.indirect.gather [hbm4b:s3+s16], $0x80, s2, s16, $0xb8;
	[tilespmem:$0x10200] =	vst v63  }
0x62: {  	s31 =	simm.s32 @!p0 $0x4  }
0x63: {  	[tilespmem:s22], [sflag:$0x3] =	stream.indirect.gather [hbm4b:s3+s16], $0x80, s14, s16, $0xb8;
	[tilespmem:$0x10200] =	vst v63  }
0x64: {  	_ =	swait.ge @!p0 [sflag:s31], $0x4000  }
0x65: {  	[sflag:s31] =	ssyncset.done @!p0 $0x0  }
0x66: {  	[sflag:s31] =	ssyncadd.s32 @!p0 $0xFFFFC000  }
0x67: {  	_ =	swait.ge @!p0 [sflag:s31], $0x4000  }
0x68: {  	[sflag:s31] =	ssyncset.done @!p0 $0x0  }
0x69: {  	[sflag:s31] =	ssyncadd.s32 @!p0 $0xFFFFC000;
	s31 =	sshrl.u32 @!p0 s28, $0x3  }
0x6a: {  	s1 =	simm.s32 @!p0 $0x0;
	s6 =	simm.s32 @!p0 $0x4200;
	s0 =	sadd.s32 @!p0 s4, s31  }
0x6b: {  	[hbm4b:s0+s1] =	stream.linear.scatter @!p0 [tilespmem:s6], [sflag:$0x6], $0x4000, $0x38;
	[tilespmem:$0x10200] =	vst v63  }
0x6c: {  	p1 =	seq.s32 @!p0 s29, $0x4E0;
	s0 =	sadd.s32 @!p0 s5, s31;
	s6 =	simm.s32 @!p0 $0xC200  }
0x6d: {  	[hbm4b:s0+s1] =	stream.linear.scatter @!p0 [tilespmem:s6], [sflag:$0x6], $0x4000, $0x38;
	[tilespmem:$0x10200] =	vst v63  }
0x6e: {  	p0 =	por p0, !p1  }
.Ltmp5:
0x6f: {  	_ = 	snop;
	(pc) =	sbr.rel @!p0 .LBB2_7-.Ltmp5, $1  }
0x70: {  	_ =	sdelay $0x3  }
.Ltmp6:
0x71: {  	(pc) =	sbr.rel .LBB2_6-.Ltmp6, $4  }
0x72: {  	s0 =	sadd.s32 s29, s12  }
0x73: {  	[tilespmem:s16], [sflag:$0x2] =	stream.linear.gather [hbm4b:s0+s2], $0x80, $0x38;
	[tilespmem:$0x10200] =	vst v63  }
0x74: {  	s31 =	sadd.s32 s29, s13  }
0x75: {  	[tilespmem:s18], [sflag:$0x2] =	stream.linear.gather [hbm4b:s31+s2], $0x80, $0x38;
	[tilespmem:$0x10200] =	vst v63  }
.LBB2_8:
0x76: {  	_ =	sfence.sel $0x180000  }
0x77: {  	[bflag:$0x0] =	sbarrier.arrive $0xFFFF  }
0x78: {  	_ =	strace $0x90000047  }
0x79: {  	s0 =	stileid.u32;
	[bflag:$0x2] =	sbarrier.arrive $0xFFFF  }
0x7a: {  	p0 =	sne.s32 s0, $0x0;
	s0 =	rddreg [dreg:$0x1]  }
0x7b: {  	s0 =	sadd.s32 @!p0 $0x100000, s0  }
0x7c: {  	[sflag:s0] =	ssyncadd.tile.s32 @!p0 $0x1;
	_ =	shalt  }
.Lfunc_end2:
_tile_overlayer_lowered:
.L_overlay_start_2:
0x7d: {  	(tag) =	ssettag $0x2  }
0x7e: {  	s0 =	rddreg [dreg:$0x0];
	s2 =	stileid.u32  }
0x7f: {  	s1 =	rddreg [dreg:$0x1];
	p0 =	sne.s32 s2, $0x0  }
0x80: {  	s3 =	rddreg [dreg:$0x2];
	[bflag:$0x3] =	sbarrier.arrive $0xFFFF;
	s2 =	simm.s32 @!p0 $0x1C07  }
0x81: {  	[timem:s3], [sflag:s2] =	dma.local @!p0 [hbm:s0], s1  }
0x82: {  	s0 =	simm.s32 @!p0 $0x7  }
0x83: {  	_ =	swait.ge @!p0 [sflag:s0], s1  }
0x84: {  	s1 =	ssub.s32 @!p0 $0x0, s1;
	[sflag:s0] =	ssyncset.done @!p0 $0x0  }
0x85: {  	[sflag:s0] =	ssyncadd.s32 @!p0 s1  }
0x86: {  	[bflag:$0x3] =	sbarrier.arrive $0xFFFF  }
0x87: {  	_ =	shalt  }

</sc_bundles>
